<compile_context>
chip_gen: v7x
topology: tpu7x:2x2x1
jax: 0.10.2.dev20260603
libtpu: 0.0.44.dev20260713+nightly
codegen_flags: <defaults>
</compile_context>

<pallas_src>
import functools

import jax
import jax.numpy as jnp
from jax import lax
from jax.experimental import pallas as pl
from jax.experimental.pallas import tpu as pltpu
from jax.experimental.pallas import tpu_sc as plsc

N = 100000
D_N = 64
D_C = 32
D_OUT = D_N + D_C
ROW = 128
V_C = 1000
NW = 32
CHUNK = 128
K = 25
NBUF = 5
B_W = CHUNK * K
LAST_BASE = N - B_W


def kernel(node_type, charge_state, W_node_type, W_charge_state):
    wn_pad = jnp.pad(W_node_type, ((0, 0), (0, ROW - D_N)))
    wc_pad = jnp.pad(W_charge_state, ((0, 0), (D_N, ROW - D_OUT)))

    mesh = plsc.VectorSubcoreMesh(core_axis_name="c", subcore_axis_name="s")

    @functools.partial(
        pl.kernel,
        mesh=mesh,
        out_type=jax.ShapeDtypeStruct((N, ROW), jnp.float32),
        scratch_types=[
            pltpu.VMEM((B_W,), jnp.int32),
            pltpu.VMEM((B_W,), jnp.int32),
            pltpu.VMEM_SHARED((V_C, ROW), jnp.float32),
        ]
        + [pltpu.VMEM((CHUNK, ROW), jnp.float32) for _ in range(NBUF)]
        + [pltpu.SemaphoreType.DMA] * (1 + 3 * NBUF),
    )
    def body(nt_hbm, cs_hbm, wn_hbm, wc_hbm, out_hbm,
             idxn_v, idxc_v, wc_sh, *rest):
        r_v = rest[:NBUF]
        sem_i = rest[NBUF]
        sem_n = rest[NBUF + 1:2 * NBUF + 1]
        sem_c = rest[2 * NBUF + 1:3 * NBUF + 1]
        sem_w = rest[3 * NBUF + 1:4 * NBUF + 1]

        cid = lax.axis_index("c")
        sid = lax.axis_index("s")
        wid = sid * 2 + cid
        base = jnp.where(wid == NW - 1, LAST_BASE, wid * B_W)

        cpn = pltpu.async_copy(nt_hbm.at[pl.ds(base, B_W)], idxn_v, sem_i)
        cpc = pltpu.async_copy(cs_hbm.at[pl.ds(base, B_W)], idxc_v, sem_i)

        @pl.when(sid == 0)
        def _():
            pltpu.sync_copy(wc_hbm, wc_sh)

        cpn.wait()
        cpc.wait()

        def gather(j, b):
            pltpu.async_copy(
                wn_hbm.at[idxn_v.at[pl.ds(j * CHUNK, CHUNK)]], r_v[b], sem_n[b])

        def charge_add(j, b):
            return pltpu.async_copy(
                wc_sh.at[idxc_v.at[pl.ds(j * CHUNK, CHUNK)]], r_v[b],
                sem_c[b], add=True)

        def write(j, b):
            row0 = base + j * CHUNK
            pltpu.async_copy(r_v[b], out_hbm.at[pl.ds(row0, CHUNK)], sem_w[b])

        def drain(sem_b):
            pltpu.make_async_copy(
                wn_hbm.at[pl.ds(0, CHUNK)], r_v[0], sem_b).wait()

        gather(0, 0)
        gather(1, 1)
        gather(2, 2)
        plsc.subcore_barrier()

        for i in (0, 1):
            b = i % NBUF
            gather(i + 3, (b + 3) % NBUF)
            drain(sem_n[b])
            charge_add(i, b).wait()
            write(i, b)

        def group(g, carry):
            for b2 in range(NBUF):
                i = 2 + g * NBUF + b2
                b = (2 + b2) % NBUF
                bg = (b + 3) % NBUF
                drain(sem_w[bg])
                gather(i + 3, bg)
                drain(sem_n[b])
                charge_add(i, b).wait()
                write(i, b)
            return carry

        lax.fori_loop(0, 4, group, 0)

        for i in (22, 23, 24):
            b = i % NBUF
            drain(sem_n[b])
            charge_add(i, b).wait()
            write(i, b)

        for b in range(NBUF):
            drain(sem_w[b])

    out128 = body(node_type, charge_state, wn_pad, wc_pad)
    return out128[:, :D_OUT]

# --- scband reference (transcript-rebuilt; emitter-appended) ---
"""Pipeline reference for scband-embedding-node-attrs-19980187861594 (READ-ONLY COPY).

The authoritative reference and input builder live on the scoring server;
editing this copy changes nothing except your own understanding.
"""

import jax, jax.numpy as jnp
import numpy as np

N_NODES = 100000
VOCAB_NODE_TYPE = 100000
DIM_NODE_TYPE = 64
VOCAB_CHARGE = 1000
DIM_CHARGE = 32


def setup_inputs(seed: int = 0) -> dict:
    key = jax.random.key(seed)
    k1, k2, k3, k4 = jax.random.split(key, 4)
    node_type = jax.random.randint(k1, (N_NODES,), 0, VOCAB_NODE_TYPE, dtype=jnp.int64 if jax.config.read('jax_enable_x64') else jnp.int32)
    charge_state = jax.random.randint(k2, (N_NODES,), 0, VOCAB_CHARGE, dtype=jnp.int64 if jax.config.read('jax_enable_x64') else jnp.int32)
    # Learned embedding tables, init normal(0, 1) as in the torch module
    W_node_type = jax.random.normal(k3, (VOCAB_NODE_TYPE, DIM_NODE_TYPE), dtype=jnp.float32)
    W_charge_state = jax.random.normal(k4, (VOCAB_CHARGE, DIM_CHARGE), dtype=jnp.float32)
    return {
        'node_type': node_type,
        'charge_state': charge_state,
        'W_node_type': W_node_type,
        'W_charge_state': W_charge_state,
    }


def reference(node_type, charge_state, W_node_type, W_charge_state):
    # forward: for each attribute field, embed indices then concat along last dim
    # (squeeze is a no-op for 1-D index tensors)
    e_node = jnp.take(W_node_type, node_type, axis=0)      # [N, 64]
    e_charge = jnp.take(W_charge_state, charge_state, axis=0)  # [N, 32]
    node_attrs = jnp.concatenate([e_node, e_charge], axis=-1)  # [N, 96]
    return node_attrs

if __name__ == "__main__":
    import jax
    _d = setup_inputs()
    print(jax.jit(kernel)(*tuple(_d.values())))

</pallas_src>

<mosaic_0001>
#map = affine_map<(d0, d1) -> (0)>
#map1 = affine_map<(d0, d1) -> (0, 0)>
module attributes {stable_mosaic.version = 14 : i64} {
  func.func @body(%arg0: i32, %arg1: i32, %arg2: memref<100000xi32, #tpu.memory_space<hbm>>, %arg3: memref<100000xi32, #tpu.memory_space<hbm>>, %arg4: memref<100000x128xf32, #tpu.memory_space<hbm>>, %arg5: memref<1000x128xf32, #tpu.memory_space<hbm>>, %arg6: memref<100000x128xf32, #tpu.memory_space<hbm>>, %arg7: memref<3200xi32, #tpu.memory_space<vmem>>, %arg8: memref<3200xi32, #tpu.memory_space<vmem>>, %arg9: memref<1000x128xf32, #tpu.memory_space<vmem_shared>>, %arg10: memref<128x128xf32, #tpu.memory_space<vmem>>, %arg11: memref<128x128xf32, #tpu.memory_space<vmem>>, %arg12: memref<128x128xf32, #tpu.memory_space<vmem>>, %arg13: memref<128x128xf32, #tpu.memory_space<vmem>>, %arg14: memref<128x128xf32, #tpu.memory_space<vmem>>, %arg15: memref<!tpu.dma_semaphore, #tpu.memory_space<semaphore_mem>>, %arg16: memref<!tpu.dma_semaphore, #tpu.memory_space<semaphore_mem>>, %arg17: memref<!tpu.dma_semaphore, #tpu.memory_space<semaphore_mem>>, %arg18: memref<!tpu.dma_semaphore, #tpu.memory_space<semaphore_mem>>, %arg19: memref<!tpu.dma_semaphore, #tpu.memory_space<semaphore_mem>>, %arg20: memref<!tpu.dma_semaphore, #tpu.memory_space<semaphore_mem>>, %arg21: memref<!tpu.dma_semaphore, #tpu.memory_space<semaphore_mem>>, %arg22: memref<!tpu.dma_semaphore, #tpu.memory_space<semaphore_mem>>, %arg23: memref<!tpu.dma_semaphore, #tpu.memory_space<semaphore_mem>>, %arg24: memref<!tpu.dma_semaphore, #tpu.memory_space<semaphore_mem>>, %arg25: memref<!tpu.dma_semaphore, #tpu.memory_space<semaphore_mem>>, %arg26: memref<!tpu.dma_semaphore, #tpu.memory_space<semaphore_mem>>, %arg27: memref<!tpu.dma_semaphore, #tpu.memory_space<semaphore_mem>>, %arg28: memref<!tpu.dma_semaphore, #tpu.memory_space<semaphore_mem>>, %arg29: memref<!tpu.dma_semaphore, #tpu.memory_space<semaphore_mem>>, %arg30: memref<!tpu.dma_semaphore, #tpu.memory_space<semaphore_mem>>) attributes {dimension_semantics = [#tpu.dimension_semantics<core_parallel>, #tpu.dimension_semantics<subcore_parallel>], iteration_bounds = array<i64: 2, 16>, scalar_prefetch = 0 : i64, scratch_operands = 24 : i64, tpu.core_type = #tpu.core_type<sc_vector_subcore>, window_params = [{transform_indices = #map}, {transform_indices = #map}, {transform_indices = #map1}, {transform_indices = #map1}, {transform_indices = #map1}]} {
    %mul3A = arith.constant 2 : i32
    %mul3A_0 = arith.muli %arg1, %mul3A : i32
    %add3A = arith.addi %mul3A_0, %arg0 : i32
    %eq3A = arith.constant 31 : i32
    %eq3A_1 = arith.cmpi eq, %add3A, %eq3A : i32
    %mul3A_2 = arith.constant 3200 : i32
    %mul3A_3 = arith.muli %add3A, %mul3A_2 : i32
    %jit3A = arith.constant 96800 : i32
    %select_n3A = arith.select %eq3A_1, %jit3A, %mul3A_3 : i32
    %dma_start3A = tpu.memref_slice %arg2[%select_n3A] : memref<100000xi32, #tpu.memory_space<hbm>> -> memref<3200xi32, #tpu.memory_space<hbm>>
    %dma_start3A_4 = tpu.memref_slice %arg2[%select_n3A] : memref<100000xi32, #tpu.memory_space<hbm>> -> memref<3200xi32, #tpu.memory_space<hbm>>
    tpu.enqueue_dma source(%dma_start3A_4 : memref<3200xi32, #tpu.memory_space<hbm>>) target(%arg7 : memref<3200xi32, #tpu.memory_space<vmem>>) target_semaphore(%arg15 : memref<!tpu.dma_semaphore, #tpu.memory_space<semaphore_mem>>)
    %dma_start3A_5 = tpu.memref_slice %arg3[%select_n3A] : memref<100000xi32, #tpu.memory_space<hbm>> -> memref<3200xi32, #tpu.memory_space<hbm>>
    %dma_start3A_6 = tpu.memref_slice %arg3[%select_n3A] : memref<100000xi32, #tpu.memory_space<hbm>> -> memref<3200xi32, #tpu.memory_space<hbm>>
    tpu.enqueue_dma source(%dma_start3A_6 : memref<3200xi32, #tpu.memory_space<hbm>>) target(%arg8 : memref<3200xi32, #tpu.memory_space<vmem>>) target_semaphore(%arg15 : memref<!tpu.dma_semaphore, #tpu.memory_space<semaphore_mem>>)
    %eq3A_7 = arith.constant 0 : i32
    %eq3A_8 = arith.cmpi eq, %arg1, %eq3A_7 : i32
    %convert_element_type3A = arith.extui %eq3A_8 : i1 to i32
    %cond3A = arith.constant 0 : i32
    %cond3A_9 = arith.cmpi ne, %convert_element_type3A, %cond3A : i32
    scf.if %cond3A_9 {
      "tpu.region"() ({
        %run_scoped3A = tpu.sem_alloc : memref<!tpu.dma_semaphore, #tpu.memory_space<semaphore_mem>>
        tpu.enqueue_dma source(%arg5 : memref<1000x128xf32, #tpu.memory_space<hbm>>) target(%arg9 : memref<1000x128xf32, #tpu.memory_space<vmem_shared>>) target_semaphore(%run_scoped3A : memref<!tpu.dma_semaphore, #tpu.memory_space<semaphore_mem>>)
        tpu.wait_dma2 semaphore(%run_scoped3A : memref<!tpu.dma_semaphore, #tpu.memory_space<semaphore_mem>>) src(%arg5 : memref<1000x128xf32, #tpu.memory_space<hbm>>) dst(%arg9 : memref<1000x128xf32, #tpu.memory_space<vmem_shared>>)
        tpu.yield
      }) : () -> ()
    } else {
    }
    %dma_wait3A = tpu.memref_slice %arg2[%select_n3A] : memref<100000xi32, #tpu.memory_space<hbm>> -> memref<3200xi32, #tpu.memory_space<hbm>>
    %dma_wait3A_10 = tpu.memref_slice %arg2[%select_n3A] : memref<100000xi32, #tpu.memory_space<hbm>> -> memref<3200xi32, #tpu.memory_space<hbm>>
    tpu.wait_dma2 semaphore(%arg15 : memref<!tpu.dma_semaphore, #tpu.memory_space<semaphore_mem>>) src(%dma_wait3A_10 : memref<3200xi32, #tpu.memory_space<hbm>>) dst(%arg7 : memref<3200xi32, #tpu.memory_space<vmem>>)
    %dma_wait3A_11 = tpu.memref_slice %arg3[%select_n3A] : memref<100000xi32, #tpu.memory_space<hbm>> -> memref<3200xi32, #tpu.memory_space<hbm>>
    %dma_wait3A_12 = tpu.memref_slice %arg3[%select_n3A] : memref<100000xi32, #tpu.memory_space<hbm>> -> memref<3200xi32, #tpu.memory_space<hbm>>
    tpu.wait_dma2 semaphore(%arg15 : memref<!tpu.dma_semaphore, #tpu.memory_space<semaphore_mem>>) src(%dma_wait3A_12 : memref<3200xi32, #tpu.memory_space<hbm>>) dst(%arg8 : memref<3200xi32, #tpu.memory_space<vmem>>)
    %dma_start3A_13 = arith.constant 0 : i32
    %dma_start3A_14 = tpu.memref_slice %arg7[%dma_start3A_13] : memref<3200xi32, #tpu.memory_space<vmem>> -> memref<128xi32, #tpu.memory_space<vmem>>
    %dma_start3A_15 = arith.constant 0 : i32
    %dma_start3A_16 = arith.constant 0 : i32
    %dma_start3A_17 = tpu.memref_slice %arg4[%dma_start3A_15, %dma_start3A_16] : memref<100000x128xf32, #tpu.memory_space<hbm>> -> memref<100000x128xf32, #tpu.memory_space<hbm>>
    tpu.enqueue_indirect_dma source(%dma_start3A_17 : memref<100000x128xf32, #tpu.memory_space<hbm>>) target(%arg10 : memref<128x128xf32, #tpu.memory_space<vmem>>) offsets(%dma_start3A_14 : memref<128xi32, #tpu.memory_space<vmem>>) semaphore(%arg16 : memref<!tpu.dma_semaphore, #tpu.memory_space<semaphore_mem>>)
    %dma_start3A_18 = arith.constant 128 : i32
    %dma_start3A_19 = tpu.memref_slice %arg7[%dma_start3A_18] : memref<3200xi32, #tpu.memory_space<vmem>> -> memref<128xi32, #tpu.memory_space<vmem>>
    %dma_start3A_20 = arith.constant 0 : i32
    %dma_start3A_21 = arith.constant 0 : i32
    %dma_start3A_22 = tpu.memref_slice %arg4[%dma_start3A_20, %dma_start3A_21] : memref<100000x128xf32, #tpu.memory_space<hbm>> -> memref<100000x128xf32, #tpu.memory_space<hbm>>
    tpu.enqueue_indirect_dma source(%dma_start3A_22 : memref<100000x128xf32, #tpu.memory_space<hbm>>) target(%arg11 : memref<128x128xf32, #tpu.memory_space<vmem>>) offsets(%dma_start3A_19 : memref<128xi32, #tpu.memory_space<vmem>>) semaphore(%arg17 : memref<!tpu.dma_semaphore, #tpu.memory_space<semaphore_mem>>)
    %dma_start3A_23 = arith.constant 256 : i32
    %dma_start3A_24 = tpu.memref_slice %arg7[%dma_start3A_23] : memref<3200xi32, #tpu.memory_space<vmem>> -> memref<128xi32, #tpu.memory_space<vmem>>
    %dma_start3A_25 = arith.constant 0 : i32
    %dma_start3A_26 = arith.constant 0 : i32
    %dma_start3A_27 = tpu.memref_slice %arg4[%dma_start3A_25, %dma_start3A_26] : memref<100000x128xf32, #tpu.memory_space<hbm>> -> memref<100000x128xf32, #tpu.memory_space<hbm>>
    tpu.enqueue_indirect_dma source(%dma_start3A_27 : memref<100000x128xf32, #tpu.memory_space<hbm>>) target(%arg12 : memref<128x128xf32, #tpu.memory_space<vmem>>) offsets(%dma_start3A_24 : memref<128xi32, #tpu.memory_space<vmem>>) semaphore(%arg18 : memref<!tpu.dma_semaphore, #tpu.memory_space<semaphore_mem>>)
    %barrier3A = arith.constant 0 : index
    tpu.barrier barrier_id(%barrier3A)
    %dma_start3A_28 = arith.constant 384 : i32
    %dma_start3A_29 = tpu.memref_slice %arg7[%dma_start3A_28] : memref<3200xi32, #tpu.memory_space<vmem>> -> memref<128xi32, #tpu.memory_space<vmem>>
    %dma_start3A_30 = arith.constant 0 : i32
    %dma_start3A_31 = arith.constant 0 : i32
    %dma_start3A_32 = tpu.memref_slice %arg4[%dma_start3A_30, %dma_start3A_31] : memref<100000x128xf32, #tpu.memory_space<hbm>> -> memref<100000x128xf32, #tpu.memory_space<hbm>>
    tpu.enqueue_indirect_dma source(%dma_start3A_32 : memref<100000x128xf32, #tpu.memory_space<hbm>>) target(%arg13 : memref<128x128xf32, #tpu.memory_space<vmem>>) offsets(%dma_start3A_29 : memref<128xi32, #tpu.memory_space<vmem>>) semaphore(%arg19 : memref<!tpu.dma_semaphore, #tpu.memory_space<semaphore_mem>>)
    %dma_wait3A_33 = arith.constant 0 : i32
    %dma_wait3A_34 = arith.constant 0 : i32
    %dma_wait3A_35 = tpu.memref_slice %arg4[%dma_wait3A_33, %dma_wait3A_34] : memref<100000x128xf32, #tpu.memory_space<hbm>> -> memref<128x128xf32, #tpu.memory_space<hbm>>
    %dma_wait3A_36 = arith.constant 0 : i32
    %dma_wait3A_37 = arith.constant 0 : i32
    %dma_wait3A_38 = tpu.memref_slice %arg4[%dma_wait3A_36, %dma_wait3A_37] : memref<100000x128xf32, #tpu.memory_space<hbm>> -> memref<128x128xf32, #tpu.memory_space<hbm>>
    tpu.wait_dma2 semaphore(%arg16 : memref<!tpu.dma_semaphore, #tpu.memory_space<semaphore_mem>>) src(%dma_wait3A_38 : memref<128x128xf32, #tpu.memory_space<hbm>>) dst(%arg10 : memref<128x128xf32, #tpu.memory_space<vmem>>)
    %dma_start3A_39 = arith.constant 0 : i32
    %dma_start3A_40 = tpu.memref_slice %arg8[%dma_start3A_39] : memref<3200xi32, #tpu.memory_space<vmem>> -> memref<128xi32, #tpu.memory_space<vmem>>
    %dma_start3A_41 = arith.constant 0 : i32
    %dma_start3A_42 = arith.constant 0 : i32
    %dma_start3A_43 = tpu.memref_slice %arg9[%dma_start3A_41, %dma_start3A_42] : memref<1000x128xf32, #tpu.memory_space<vmem_shared>> -> memref<1000x128xf32, #tpu.memory_space<vmem_shared>>
    tpu.enqueue_indirect_dma source(%dma_start3A_43 : memref<1000x128xf32, #tpu.memory_space<vmem_shared>>) target(%arg10 : memref<128x128xf32, #tpu.memory_space<vmem>>) offsets(%dma_start3A_40 : memref<128xi32, #tpu.memory_space<vmem>>) semaphore(%arg21 : memref<!tpu.dma_semaphore, #tpu.memory_space<semaphore_mem>>) {add = true}
    %dma_wait3A_44 = arith.constant 0 : i32
    %dma_wait3A_45 = tpu.memref_slice %arg8[%dma_wait3A_44] : memref<3200xi32, #tpu.memory_space<vmem>> -> memref<128xi32, #tpu.memory_space<vmem>>
    %dma_wait3A_46 = arith.constant 0 : i32
    %dma_wait3A_47 = arith.constant 0 : i32
    %dma_wait3A_48 = tpu.memref_slice %arg9[%dma_wait3A_46, %dma_wait3A_47] : memref<1000x128xf32, #tpu.memory_space<vmem_shared>> -> memref<1000x128xf32, #tpu.memory_space<vmem_shared>>
    tpu.wait_indirect_dma semaphore(%arg21 : memref<!tpu.dma_semaphore, #tpu.memory_space<semaphore_mem>>) src(%dma_wait3A_48 : memref<1000x128xf32, #tpu.memory_space<vmem_shared>>) dst(%arg10 : memref<128x128xf32, #tpu.memory_space<vmem>>)
    %add3A_49 = arith.constant 0 : i32
    %add3A_50 = arith.addi %select_n3A, %add3A_49 : i32
    %dma_start3A_51 = arith.constant 0 : i32
    %dma_start3A_52 = tpu.memref_slice %arg6[%add3A_50, %dma_start3A_51] : memref<100000x128xf32, #tpu.memory_space<hbm>> -> memref<128x128xf32, #tpu.memory_space<hbm>>
    %dma_start3A_53 = arith.constant 0 : i32
    %dma_start3A_54 = tpu.memref_slice %arg6[%add3A_50, %dma_start3A_53] : memref<100000x128xf32, #tpu.memory_space<hbm>> -> memref<128x128xf32, #tpu.memory_space<hbm>>
    tpu.enqueue_dma source(%arg10 : memref<128x128xf32, #tpu.memory_space<vmem>>) target(%dma_start3A_54 : memref<128x128xf32, #tpu.memory_space<hbm>>) target_semaphore(%arg26 : memref<!tpu.dma_semaphore, #tpu.memory_space<semaphore_mem>>)
    %dma_start3A_55 = arith.constant 512 : i32
    %dma_start3A_56 = tpu.memref_slice %arg7[%dma_start3A_55] : memref<3200xi32, #tpu.memory_space<vmem>> -> memref<128xi32, #tpu.memory_space<vmem>>
    %dma_start3A_57 = arith.constant 0 : i32
    %dma_start3A_58 = arith.constant 0 : i32
    %dma_start3A_59 = tpu.memref_slice %arg4[%dma_start3A_57, %dma_start3A_58] : memref<100000x128xf32, #tpu.memory_space<hbm>> -> memref<100000x128xf32, #tpu.memory_space<hbm>>
    tpu.enqueue_indirect_dma source(%dma_start3A_59 : memref<100000x128xf32, #tpu.memory_space<hbm>>) target(%arg14 : memref<128x128xf32, #tpu.memory_space<vmem>>) offsets(%dma_start3A_56 : memref<128xi32, #tpu.memory_space<vmem>>) semaphore(%arg20 : memref<!tpu.dma_semaphore, #tpu.memory_space<semaphore_mem>>)
    %dma_wait3A_60 = arith.constant 0 : i32
    %dma_wait3A_61 = arith.constant 0 : i32
    %dma_wait3A_62 = tpu.memref_slice %arg4[%dma_wait3A_60, %dma_wait3A_61] : memref<100000x128xf32, #tpu.memory_space<hbm>> -> memref<128x128xf32, #tpu.memory_space<hbm>>
    %dma_wait3A_63 = arith.constant 0 : i32
    %dma_wait3A_64 = arith.constant 0 : i32
    %dma_wait3A_65 = tpu.memref_slice %arg4[%dma_wait3A_63, %dma_wait3A_64] : memref<100000x128xf32, #tpu.memory_space<hbm>> -> memref<128x128xf32, #tpu.memory_space<hbm>>
    tpu.wait_dma2 semaphore(%arg17 : memref<!tpu.dma_semaphore, #tpu.memory_space<semaphore_mem>>) src(%dma_wait3A_65 : memref<128x128xf32, #tpu.memory_space<hbm>>) dst(%arg10 : memref<128x128xf32, #tpu.memory_space<vmem>>)
    %dma_start3A_66 = arith.constant 128 : i32
    %dma_start3A_67 = tpu.memref_slice %arg8[%dma_start3A_66] : memref<3200xi32, #tpu.memory_space<vmem>> -> memref<128xi32, #tpu.memory_space<vmem>>
    %dma_start3A_68 = arith.constant 0 : i32
    %dma_start3A_69 = arith.constant 0 : i32
    %dma_start3A_70 = tpu.memref_slice %arg9[%dma_start3A_68, %dma_start3A_69] : memref<1000x128xf32, #tpu.memory_space<vmem_shared>> -> memref<1000x128xf32, #tpu.memory_space<vmem_shared>>
    tpu.enqueue_indirect_dma source(%dma_start3A_70 : memref<1000x128xf32, #tpu.memory_space<vmem_shared>>) target(%arg11 : memref<128x128xf32, #tpu.memory_space<vmem>>) offsets(%dma_start3A_67 : memref<128xi32, #tpu.memory_space<vmem>>) semaphore(%arg22 : memref<!tpu.dma_semaphore, #tpu.memory_space<semaphore_mem>>) {add = true}
    %dma_wait3A_71 = arith.constant 128 : i32
    %dma_wait3A_72 = tpu.memref_slice %arg8[%dma_wait3A_71] : memref<3200xi32, #tpu.memory_space<vmem>> -> memref<128xi32, #tpu.memory_space<vmem>>
    %dma_wait3A_73 = arith.constant 0 : i32
    %dma_wait3A_74 = arith.constant 0 : i32
    %dma_wait3A_75 = tpu.memref_slice %arg9[%dma_wait3A_73, %dma_wait3A_74] : memref<1000x128xf32, #tpu.memory_space<vmem_shared>> -> memref<1000x128xf32, #tpu.memory_space<vmem_shared>>
    tpu.wait_indirect_dma semaphore(%arg22 : memref<!tpu.dma_semaphore, #tpu.memory_space<semaphore_mem>>) src(%dma_wait3A_75 : memref<1000x128xf32, #tpu.memory_space<vmem_shared>>) dst(%arg11 : memref<128x128xf32, #tpu.memory_space<vmem>>)
    %add3A_76 = arith.constant 128 : i32
    %add3A_77 = arith.addi %select_n3A, %add3A_76 : i32
    %dma_start3A_78 = arith.constant 0 : i32
    %dma_start3A_79 = tpu.memref_slice %arg6[%add3A_77, %dma_start3A_78] : memref<100000x128xf32, #tpu.memory_space<hbm>> -> memref<128x128xf32, #tpu.memory_space<hbm>>
    %dma_start3A_80 = arith.constant 0 : i32
    %dma_start3A_81 = tpu.memref_slice %arg6[%add3A_77, %dma_start3A_80] : memref<100000x128xf32, #tpu.memory_space<hbm>> -> memref<128x128xf32, #tpu.memory_space<hbm>>
    tpu.enqueue_dma source(%arg11 : memref<128x128xf32, #tpu.memory_space<vmem>>) target(%dma_start3A_81 : memref<128x128xf32, #tpu.memory_space<hbm>>) target_semaphore(%arg27 : memref<!tpu.dma_semaphore, #tpu.memory_space<semaphore_mem>>)
    %scan3A = arith.constant 0 : i32
    %scan3A_82 = arith.constant 0 : i32
    %scan3A_83 = arith.constant 4 : i32
    %scan3A_84 = arith.addi %scan3A_82, %scan3A_83 : i32
    %scan3A_85 = arith.constant 1 : i32
    scf.for %scan3A_183 = %scan3A_82 to %scan3A_84 step %scan3A_85  : i32 {
      %mul3A_184 = arith.constant 5 : i32
      %mul3A_185 = arith.muli %scan3A_183, %mul3A_184 : i32
      %add3A_186 = arith.constant 2 : i32
      %add3A_187 = arith.addi %add3A_186, %mul3A_185 : i32
      %add3A_188 = arith.constant 0 : i32
      %add3A_189 = arith.addi %add3A_187, %add3A_188 : i32
      %dma_wait3A_190 = arith.constant 0 : i32
      %dma_wait3A_191 = arith.constant 0 : i32
      %dma_wait3A_192 = tpu.memref_slice %arg4[%dma_wait3A_190, %dma_wait3A_191] : memref<100000x128xf32, #tpu.memory_space<hbm>> -> memref<128x128xf32, #tpu.memory_space<hbm>>
      %dma_wait3A_193 = arith.constant 0 : i32
      %dma_wait3A_194 = arith.constant 0 : i32
      %dma_wait3A_195 = tpu.memref_slice %arg4[%dma_wait3A_193, %dma_wait3A_194] : memref<100000x128xf32, #tpu.memory_space<hbm>> -> memref<128x128xf32, #tpu.memory_space<hbm>>
      tpu.wait_dma2 semaphore(%arg26 : memref<!tpu.dma_semaphore, #tpu.memory_space<semaphore_mem>>) src(%dma_wait3A_195 : memref<128x128xf32, #tpu.memory_space<hbm>>) dst(%arg10 : memref<128x128xf32, #tpu.memory_space<vmem>>)
      %add3A_196 = arith.constant 3 : i32
      %add3A_197 = arith.addi %add3A_189, %add3A_196 : i32
      %mul3A_198 = arith.constant 128 : i32
      %mul3A_199 = arith.muli %add3A_197, %mul3A_198 : i32
      %dma_start3A_200 = tpu.memref_slice %arg7[%mul3A_199] : memref<3200xi32, #tpu.memory_space<vmem>> -> memref<128xi32, #tpu.memory_space<vmem>>
      %dma_start3A_201 = arith.constant 0 : i32
      %dma_start3A_202 = arith.constant 0 : i32
      %dma_start3A_203 = tpu.memref_slice %arg4[%dma_start3A_201, %dma_start3A_202] : memref<100000x128xf32, #tpu.memory_space<hbm>> -> memref<100000x128xf32, #tpu.memory_space<hbm>>
      tpu.enqueue_indirect_dma source(%dma_start3A_203 : memref<100000x128xf32, #tpu.memory_space<hbm>>) target(%arg10 : memref<128x128xf32, #tpu.memory_space<vmem>>) offsets(%dma_start3A_200 : memref<128xi32, #tpu.memory_space<vmem>>) semaphore(%arg16 : memref<!tpu.dma_semaphore, #tpu.memory_space<semaphore_mem>>)
      %dma_wait3A_204 = arith.constant 0 : i32
      %dma_wait3A_205 = arith.constant 0 : i32
      %dma_wait3A_206 = tpu.memref_slice %arg4[%dma_wait3A_204, %dma_wait3A_205] : memref<100000x128xf32, #tpu.memory_space<hbm>> -> memref<128x128xf32, #tpu.memory_space<hbm>>
      %dma_wait3A_207 = arith.constant 0 : i32
      %dma_wait3A_208 = arith.constant 0 : i32
      %dma_wait3A_209 = tpu.memref_slice %arg4[%dma_wait3A_207, %dma_wait3A_208] : memref<100000x128xf32, #tpu.memory_space<hbm>> -> memref<128x128xf32, #tpu.memory_space<hbm>>
      tpu.wait_dma2 semaphore(%arg18 : memref<!tpu.dma_semaphore, #tpu.memory_space<semaphore_mem>>) src(%dma_wait3A_209 : memref<128x128xf32, #tpu.memory_space<hbm>>) dst(%arg10 : memref<128x128xf32, #tpu.memory_space<vmem>>)
      %mul3A_210 = arith.constant 128 : i32
      %mul3A_211 = arith.muli %add3A_189, %mul3A_210 : i32
      %dma_start3A_212 = tpu.memref_slice %arg8[%mul3A_211] : memref<3200xi32, #tpu.memory_space<vmem>> -> memref<128xi32, #tpu.memory_space<vmem>>
      %dma_start3A_213 = arith.constant 0 : i32
      %dma_start3A_214 = arith.constant 0 : i32
      %dma_start3A_215 = tpu.memref_slice %arg9[%dma_start3A_213, %dma_start3A_214] : memref<1000x128xf32, #tpu.memory_space<vmem_shared>> -> memref<1000x128xf32, #tpu.memory_space<vmem_shared>>
      tpu.enqueue_indirect_dma source(%dma_start3A_215 : memref<1000x128xf32, #tpu.memory_space<vmem_shared>>) target(%arg12 : memref<128x128xf32, #tpu.memory_space<vmem>>) offsets(%dma_start3A_212 : memref<128xi32, #tpu.memory_space<vmem>>) semaphore(%arg23 : memref<!tpu.dma_semaphore, #tpu.memory_space<semaphore_mem>>) {add = true}
      %dma_wait3A_216 = tpu.memref_slice %arg8[%mul3A_211] : memref<3200xi32, #tpu.memory_space<vmem>> -> memref<128xi32, #tpu.memory_space<vmem>>
      %dma_wait3A_217 = arith.constant 0 : i32
      %dma_wait3A_218 = arith.constant 0 : i32
      %dma_wait3A_219 = tpu.memref_slice %arg9[%dma_wait3A_217, %dma_wait3A_218] : memref<1000x128xf32, #tpu.memory_space<vmem_shared>> -> memref<1000x128xf32, #tpu.memory_space<vmem_shared>>
      tpu.wait_indirect_dma semaphore(%arg23 : memref<!tpu.dma_semaphore, #tpu.memory_space<semaphore_mem>>) src(%dma_wait3A_219 : memref<1000x128xf32, #tpu.memory_space<vmem_shared>>) dst(%arg12 : memref<128x128xf32, #tpu.memory_space<vmem>>)
      %mul3A_220 = arith.constant 128 : i32
      %mul3A_221 = arith.muli %add3A_189, %mul3A_220 : i32
      %add3A_222 = arith.addi %select_n3A, %mul3A_221 : i32
      %dma_start3A_223 = arith.constant 0 : i32
      %dma_start3A_224 = tpu.memref_slice %arg6[%add3A_222, %dma_start3A_223] : memref<100000x128xf32, #tpu.memory_space<hbm>> -> memref<128x128xf32, #tpu.memory_space<hbm>>
      %dma_start3A_225 = arith.constant 0 : i32
      %dma_start3A_226 = tpu.memref_slice %arg6[%add3A_222, %dma_start3A_225] : memref<100000x128xf32, #tpu.memory_space<hbm>> -> memref<128x128xf32, #tpu.memory_space<hbm>>
      tpu.enqueue_dma source(%arg12 : memref<128x128xf32, #tpu.memory_space<vmem>>) target(%dma_start3A_226 : memref<128x128xf32, #tpu.memory_space<hbm>>) target_semaphore(%arg28 : memref<!tpu.dma_semaphore, #tpu.memory_space<semaphore_mem>>)
      %mul3A_227 = arith.constant 5 : i32
      %mul3A_228 = arith.muli %scan3A_183, %mul3A_227 : i32
      %add3A_229 = arith.constant 2 : i32
      %add3A_230 = arith.addi %add3A_229, %mul3A_228 : i32
      %add3A_231 = arith.constant 1 : i32
      %add3A_232 = arith.addi %add3A_230, %add3A_231 : i32
      %dma_wait3A_233 = arith.constant 0 : i32
      %dma_wait3A_234 = arith.constant 0 : i32
      %dma_wait3A_235 = tpu.memref_slice %arg4[%dma_wait3A_233, %dma_wait3A_234] : memref<100000x128xf32, #tpu.memory_space<hbm>> -> memref<128x128xf32, #tpu.memory_space<hbm>>
      %dma_wait3A_236 = arith.constant 0 : i32
      %dma_wait3A_237 = arith.constant 0 : i32
      %dma_wait3A_238 = tpu.memref_slice %arg4[%dma_wait3A_236, %dma_wait3A_237] : memref<100000x128xf32, #tpu.memory_space<hbm>> -> memref<128x128xf32, #tpu.memory_space<hbm>>
      tpu.wait_dma2 semaphore(%arg27 : memref<!tpu.dma_semaphore, #tpu.memory_space<semaphore_mem>>) src(%dma_wait3A_238 : memref<128x128xf32, #tpu.memory_space<hbm>>) dst(%arg10 : memref<128x128xf32, #tpu.memory_space<vmem>>)
      %add3A_239 = arith.constant 3 : i32
      %add3A_240 = arith.addi %add3A_232, %add3A_239 : i32
      %mul3A_241 = arith.constant 128 : i32
      %mul3A_242 = arith.muli %add3A_240, %mul3A_241 : i32
      %dma_start3A_243 = tpu.memref_slice %arg7[%mul3A_242] : memref<3200xi32, #tpu.memory_space<vmem>> -> memref<128xi32, #tpu.memory_space<vmem>>
      %dma_start3A_244 = arith.constant 0 : i32
      %dma_start3A_245 = arith.constant 0 : i32
      %dma_start3A_246 = tpu.memref_slice %arg4[%dma_start3A_244, %dma_start3A_245] : memref<100000x128xf32, #tpu.memory_space<hbm>> -> memref<100000x128xf32, #tpu.memory_space<hbm>>
      tpu.enqueue_indirect_dma source(%dma_start3A_246 : memref<100000x128xf32, #tpu.memory_space<hbm>>) target(%arg11 : memref<128x128xf32, #tpu.memory_space<vmem>>) offsets(%dma_start3A_243 : memref<128xi32, #tpu.memory_space<vmem>>) semaphore(%arg17 : memref<!tpu.dma_semaphore, #tpu.memory_space<semaphore_mem>>)
      %dma_wait3A_247 = arith.constant 0 : i32
      %dma_wait3A_248 = arith.constant 0 : i32
      %dma_wait3A_249 = tpu.memref_slice %arg4[%dma_wait3A_247, %dma_wait3A_248] : memref<100000x128xf32, #tpu.memory_space<hbm>> -> memref<128x128xf32, #tpu.memory_space<hbm>>
      %dma_wait3A_250 = arith.constant 0 : i32
      %dma_wait3A_251 = arith.constant 0 : i32
      %dma_wait3A_252 = tpu.memref_slice %arg4[%dma_wait3A_250, %dma_wait3A_251] : memref<100000x128xf32, #tpu.memory_space<hbm>> -> memref<128x128xf32, #tpu.memory_space<hbm>>
      tpu.wait_dma2 semaphore(%arg19 : memref<!tpu.dma_semaphore, #tpu.memory_space<semaphore_mem>>) src(%dma_wait3A_252 : memref<128x128xf32, #tpu.memory_space<hbm>>) dst(%arg10 : memref<128x128xf32, #tpu.memory_space<vmem>>)
      %mul3A_253 = arith.constant 128 : i32
      %mul3A_254 = arith.muli %add3A_232, %mul3A_253 : i32
      %dma_start3A_255 = tpu.memref_slice %arg8[%mul3A_254] : memref<3200xi32, #tpu.memory_space<vmem>> -> memref<128xi32, #tpu.memory_space<vmem>>
      %dma_start3A_256 = arith.constant 0 : i32
      %dma_start3A_257 = arith.constant 0 : i32
      %dma_start3A_258 = tpu.memref_slice %arg9[%dma_start3A_256, %dma_start3A_257] : memref<1000x128xf32, #tpu.memory_space<vmem_shared>> -> memref<1000x128xf32, #tpu.memory_space<vmem_shared>>
      tpu.enqueue_indirect_dma source(%dma_start3A_258 : memref<1000x128xf32, #tpu.memory_space<vmem_shared>>) target(%arg13 : memref<128x128xf32, #tpu.memory_space<vmem>>) offsets(%dma_start3A_255 : memref<128xi32, #tpu.memory_space<vmem>>) semaphore(%arg24 : memref<!tpu.dma_semaphore, #tpu.memory_space<semaphore_mem>>) {add = true}
      %dma_wait3A_259 = tpu.memref_slice %arg8[%mul3A_254] : memref<3200xi32, #tpu.memory_space<vmem>> -> memref<128xi32, #tpu.memory_space<vmem>>
      %dma_wait3A_260 = arith.constant 0 : i32
      %dma_wait3A_261 = arith.constant 0 : i32
      %dma_wait3A_262 = tpu.memref_slice %arg9[%dma_wait3A_260, %dma_wait3A_261] : memref<1000x128xf32, #tpu.memory_space<vmem_shared>> -> memref<1000x128xf32, #tpu.memory_space<vmem_shared>>
      tpu.wait_indirect_dma semaphore(%arg24 : memref<!tpu.dma_semaphore, #tpu.memory_space<semaphore_mem>>) src(%dma_wait3A_262 : memref<1000x128xf32, #tpu.memory_space<vmem_shared>>) dst(%arg13 : memref<128x128xf32, #tpu.memory_space<vmem>>)
      %mul3A_263 = arith.constant 128 : i32
      %mul3A_264 = arith.muli %add3A_232, %mul3A_263 : i32
      %add3A_265 = arith.addi %select_n3A, %mul3A_264 : i32
      %dma_start3A_266 = arith.constant 0 : i32
      %dma_start3A_267 = tpu.memref_slice %arg6[%add3A_265, %dma_start3A_266] : memref<100000x128xf32, #tpu.memory_space<hbm>> -> memref<128x128xf32, #tpu.memory_space<hbm>>
      %dma_start3A_268 = arith.constant 0 : i32
      %dma_start3A_269 = tpu.memref_slice %arg6[%add3A_265, %dma_start3A_268] : memref<100000x128xf32, #tpu.memory_space<hbm>> -> memref<128x128xf32, #tpu.memory_space<hbm>>
      tpu.enqueue_dma source(%arg13 : memref<128x128xf32, #tpu.memory_space<vmem>>) target(%dma_start3A_269 : memref<128x128xf32, #tpu.memory_space<hbm>>) target_semaphore(%arg29 : memref<!tpu.dma_semaphore, #tpu.memory_space<semaphore_mem>>)
      %mul3A_270 = arith.constant 5 : i32
      %mul3A_271 = arith.muli %scan3A_183, %mul3A_270 : i32
      %add3A_272 = arith.constant 2 : i32
      %add3A_273 = arith.addi %add3A_272, %mul3A_271 : i32
      %add3A_274 = arith.constant 2 : i32
      %add3A_275 = arith.addi %add3A_273, %add3A_274 : i32
      %dma_wait3A_276 = arith.constant 0 : i32
      %dma_wait3A_277 = arith.constant 0 : i32
      %dma_wait3A_278 = tpu.memref_slice %arg4[%dma_wait3A_276, %dma_wait3A_277] : memref<100000x128xf32, #tpu.memory_space<hbm>> -> memref<128x128xf32, #tpu.memory_space<hbm>>
      %dma_wait3A_279 = arith.constant 0 : i32
      %dma_wait3A_280 = arith.constant 0 : i32
      %dma_wait3A_281 = tpu.memref_slice %arg4[%dma_wait3A_279, %dma_wait3A_280] : memref<100000x128xf32, #tpu.memory_space<hbm>> -> memref<128x128xf32, #tpu.memory_space<hbm>>
      tpu.wait_dma2 semaphore(%arg28 : memref<!tpu.dma_semaphore, #tpu.memory_space<semaphore_mem>>) src(%dma_wait3A_281 : memref<128x128xf32, #tpu.memory_space<hbm>>) dst(%arg10 : memref<128x128xf32, #tpu.memory_space<vmem>>)
      %add3A_282 = arith.constant 3 : i32
      %add3A_283 = arith.addi %add3A_275, %add3A_282 : i32
      %mul3A_284 = arith.constant 128 : i32
      %mul3A_285 = arith.muli %add3A_283, %mul3A_284 : i32
      %dma_start3A_286 = tpu.memref_slice %arg7[%mul3A_285] : memref<3200xi32, #tpu.memory_space<vmem>> -> memref<128xi32, #tpu.memory_space<vmem>>
      %dma_start3A_287 = arith.constant 0 : i32
      %dma_start3A_288 = arith.constant 0 : i32
      %dma_start3A_289 = tpu.memref_slice %arg4[%dma_start3A_287, %dma_start3A_288] : memref<100000x128xf32, #tpu.memory_space<hbm>> -> memref<100000x128xf32, #tpu.memory_space<hbm>>
      tpu.enqueue_indirect_dma source(%dma_start3A_289 : memref<100000x128xf32, #tpu.memory_space<hbm>>) target(%arg12 : memref<128x128xf32, #tpu.memory_space<vmem>>) offsets(%dma_start3A_286 : memref<128xi32, #tpu.memory_space<vmem>>) semaphore(%arg18 : memref<!tpu.dma_semaphore, #tpu.memory_space<semaphore_mem>>)
      %dma_wait3A_290 = arith.constant 0 : i32
      %dma_wait3A_291 = arith.constant 0 : i32
      %dma_wait3A_292 = tpu.memref_slice %arg4[%dma_wait3A_290, %dma_wait3A_291] : memref<100000x128xf32, #tpu.memory_space<hbm>> -> memref<128x128xf32, #tpu.memory_space<hbm>>
      %dma_wait3A_293 = arith.constant 0 : i32
      %dma_wait3A_294 = arith.constant 0 : i32
      %dma_wait3A_295 = tpu.memref_slice %arg4[%dma_wait3A_293, %dma_wait3A_294] : memref<100000x128xf32, #tpu.memory_space<hbm>> -> memref<128x128xf32, #tpu.memory_space<hbm>>
      tpu.wait_dma2 semaphore(%arg20 : memref<!tpu.dma_semaphore, #tpu.memory_space<semaphore_mem>>) src(%dma_wait3A_295 : memref<128x128xf32, #tpu.memory_space<hbm>>) dst(%arg10 : memref<128x128xf32, #tpu.memory_space<vmem>>)
      %mul3A_296 = arith.constant 128 : i32
      %mul3A_297 = arith.muli %add3A_275, %mul3A_296 : i32
      %dma_start3A_298 = tpu.memref_slice %arg8[%mul3A_297] : memref<3200xi32, #tpu.memory_space<vmem>> -> memref<128xi32, #tpu.memory_space<vmem>>
      %dma_start3A_299 = arith.constant 0 : i32
      %dma_start3A_300 = arith.constant 0 : i32
      %dma_start3A_301 = tpu.memref_slice %arg9[%dma_start3A_299, %dma_start3A_300] : memref<1000x128xf32, #tpu.memory_space<vmem_shared>> -> memref<1000x128xf32, #tpu.memory_space<vmem_shared>>
      tpu.enqueue_indirect_dma source(%dma_start3A_301 : memref<1000x128xf32, #tpu.memory_space<vmem_shared>>) target(%arg14 : memref<128x128xf32, #tpu.memory_space<vmem>>) offsets(%dma_start3A_298 : memref<128xi32, #tpu.memory_space<vmem>>) semaphore(%arg25 : memref<!tpu.dma_semaphore, #tpu.memory_space<semaphore_mem>>) {add = true}
      %dma_wait3A_302 = tpu.memref_slice %arg8[%mul3A_297] : memref<3200xi32, #tpu.memory_space<vmem>> -> memref<128xi32, #tpu.memory_space<vmem>>
      %dma_wait3A_303 = arith.constant 0 : i32
      %dma_wait3A_304 = arith.constant 0 : i32
      %dma_wait3A_305 = tpu.memref_slice %arg9[%dma_wait3A_303, %dma_wait3A_304] : memref<1000x128xf32, #tpu.memory_space<vmem_shared>> -> memref<1000x128xf32, #tpu.memory_space<vmem_shared>>
      tpu.wait_indirect_dma semaphore(%arg25 : memref<!tpu.dma_semaphore, #tpu.memory_space<semaphore_mem>>) src(%dma_wait3A_305 : memref<1000x128xf32, #tpu.memory_space<vmem_shared>>) dst(%arg14 : memref<128x128xf32, #tpu.memory_space<vmem>>)
      %mul3A_306 = arith.constant 128 : i32
      %mul3A_307 = arith.muli %add3A_275, %mul3A_306 : i32
      %add3A_308 = arith.addi %select_n3A, %mul3A_307 : i32
      %dma_start3A_309 = arith.constant 0 : i32
      %dma_start3A_310 = tpu.memref_slice %arg6[%add3A_308, %dma_start3A_309] : memref<100000x128xf32, #tpu.memory_space<hbm>> -> memref<128x128xf32, #tpu.memory_space<hbm>>
      %dma_start3A_311 = arith.constant 0 : i32
      %dma_start3A_312 = tpu.memref_slice %arg6[%add3A_308, %dma_start3A_311] : memref<100000x128xf32, #tpu.memory_space<hbm>> -> memref<128x128xf32, #tpu.memory_space<hbm>>
      tpu.enqueue_dma source(%arg14 : memref<128x128xf32, #tpu.memory_space<vmem>>) target(%dma_start3A_312 : memref<128x128xf32, #tpu.memory_space<hbm>>) target_semaphore(%arg30 : memref<!tpu.dma_semaphore, #tpu.memory_space<semaphore_mem>>)
      %mul3A_313 = arith.constant 5 : i32
      %mul3A_314 = arith.muli %scan3A_183, %mul3A_313 : i32
      %add3A_315 = arith.constant 2 : i32
      %add3A_316 = arith.addi %add3A_315, %mul3A_314 : i32
      %add3A_317 = arith.constant 3 : i32
      %add3A_318 = arith.addi %add3A_316, %add3A_317 : i32
      %dma_wait3A_319 = arith.constant 0 : i32
      %dma_wait3A_320 = arith.constant 0 : i32
      %dma_wait3A_321 = tpu.memref_slice %arg4[%dma_wait3A_319, %dma_wait3A_320] : memref<100000x128xf32, #tpu.memory_space<hbm>> -> memref<128x128xf32, #tpu.memory_space<hbm>>
      %dma_wait3A_322 = arith.constant 0 : i32
      %dma_wait3A_323 = arith.constant 0 : i32
      %dma_wait3A_324 = tpu.memref_slice %arg4[%dma_wait3A_322, %dma_wait3A_323] : memref<100000x128xf32, #tpu.memory_space<hbm>> -> memref<128x128xf32, #tpu.memory_space<hbm>>
      tpu.wait_dma2 semaphore(%arg29 : memref<!tpu.dma_semaphore, #tpu.memory_space<semaphore_mem>>) src(%dma_wait3A_324 : memref<128x128xf32, #tpu.memory_space<hbm>>) dst(%arg10 : memref<128x128xf32, #tpu.memory_space<vmem>>)
      %add3A_325 = arith.constant 3 : i32
      %add3A_326 = arith.addi %add3A_318, %add3A_325 : i32
      %mul3A_327 = arith.constant 128 : i32
      %mul3A_328 = arith.muli %add3A_326, %mul3A_327 : i32
      %dma_start3A_329 = tpu.memref_slice %arg7[%mul3A_328] : memref<3200xi32, #tpu.memory_space<vmem>> -> memref<128xi32, #tpu.memory_space<vmem>>
      %dma_start3A_330 = arith.constant 0 : i32
      %dma_start3A_331 = arith.constant 0 : i32
      %dma_start3A_332 = tpu.memref_slice %arg4[%dma_start3A_330, %dma_start3A_331] : memref<100000x128xf32, #tpu.memory_space<hbm>> -> memref<100000x128xf32, #tpu.memory_space<hbm>>
      tpu.enqueue_indirect_dma source(%dma_start3A_332 : memref<100000x128xf32, #tpu.memory_space<hbm>>) target(%arg13 : memref<128x128xf32, #tpu.memory_space<vmem>>) offsets(%dma_start3A_329 : memref<128xi32, #tpu.memory_space<vmem>>) semaphore(%arg19 : memref<!tpu.dma_semaphore, #tpu.memory_space<semaphore_mem>>)
      %dma_wait3A_333 = arith.constant 0 : i32
      %dma_wait3A_334 = arith.constant 0 : i32
      %dma_wait3A_335 = tpu.memref_slice %arg4[%dma_wait3A_333, %dma_wait3A_334] : memref<100000x128xf32, #tpu.memory_space<hbm>> -> memref<128x128xf32, #tpu.memory_space<hbm>>
      %dma_wait3A_336 = arith.constant 0 : i32
      %dma_wait3A_337 = arith.constant 0 : i32
      %dma_wait3A_338 = tpu.memref_slice %arg4[%dma_wait3A_336, %dma_wait3A_337] : memref<100000x128xf32, #tpu.memory_space<hbm>> -> memref<128x128xf32, #tpu.memory_space<hbm>>
      tpu.wait_dma2 semaphore(%arg16 : memref<!tpu.dma_semaphore, #tpu.memory_space<semaphore_mem>>) src(%dma_wait3A_338 : memref<128x128xf32, #tpu.memory_space<hbm>>) dst(%arg10 : memref<128x128xf32, #tpu.memory_space<vmem>>)
      %mul3A_339 = arith.constant 128 : i32
      %mul3A_340 = arith.muli %add3A_318, %mul3A_339 : i32
      %dma_start3A_341 = tpu.memref_slice %arg8[%mul3A_340] : memref<3200xi32, #tpu.memory_space<vmem>> -> memref<128xi32, #tpu.memory_space<vmem>>
      %dma_start3A_342 = arith.constant 0 : i32
      %dma_start3A_343 = arith.constant 0 : i32
      %dma_start3A_344 = tpu.memref_slice %arg9[%dma_start3A_342, %dma_start3A_343] : memref<1000x128xf32, #tpu.memory_space<vmem_shared>> -> memref<1000x128xf32, #tpu.memory_space<vmem_shared>>
      tpu.enqueue_indirect_dma source(%dma_start3A_344 : memref<1000x128xf32, #tpu.memory_space<vmem_shared>>) target(%arg10 : memref<128x128xf32, #tpu.memory_space<vmem>>) offsets(%dma_start3A_341 : memref<128xi32, #tpu.memory_space<vmem>>) semaphore(%arg21 : memref<!tpu.dma_semaphore, #tpu.memory_space<semaphore_mem>>) {add = true}
      %dma_wait3A_345 = tpu.memref_slice %arg8[%mul3A_340] : memref<3200xi32, #tpu.memory_space<vmem>> -> memref<128xi32, #tpu.memory_space<vmem>>
      %dma_wait3A_346 = arith.constant 0 : i32
      %dma_wait3A_347 = arith.constant 0 : i32
      %dma_wait3A_348 = tpu.memref_slice %arg9[%dma_wait3A_346, %dma_wait3A_347] : memref<1000x128xf32, #tpu.memory_space<vmem_shared>> -> memref<1000x128xf32, #tpu.memory_space<vmem_shared>>
      tpu.wait_indirect_dma semaphore(%arg21 : memref<!tpu.dma_semaphore, #tpu.memory_space<semaphore_mem>>) src(%dma_wait3A_348 : memref<1000x128xf32, #tpu.memory_space<vmem_shared>>) dst(%arg10 : memref<128x128xf32, #tpu.memory_space<vmem>>)
      %mul3A_349 = arith.constant 128 : i32
      %mul3A_350 = arith.muli %add3A_318, %mul3A_349 : i32
      %add3A_351 = arith.addi %select_n3A, %mul3A_350 : i32
      %dma_start3A_352 = arith.constant 0 : i32
      %dma_start3A_353 = tpu.memref_slice %arg6[%add3A_351, %dma_start3A_352] : memref<100000x128xf32, #tpu.memory_space<hbm>> -> memref<128x128xf32, #tpu.memory_space<hbm>>
      %dma_start3A_354 = arith.constant 0 : i32
      %dma_start3A_355 = tpu.memref_slice %arg6[%add3A_351, %dma_start3A_354] : memref<100000x128xf32, #tpu.memory_space<hbm>> -> memref<128x128xf32, #tpu.memory_space<hbm>>
      tpu.enqueue_dma source(%arg10 : memref<128x128xf32, #tpu.memory_space<vmem>>) target(%dma_start3A_355 : memref<128x128xf32, #tpu.memory_space<hbm>>) target_semaphore(%arg26 : memref<!tpu.dma_semaphore, #tpu.memory_space<semaphore_mem>>)
      %mul3A_356 = arith.constant 5 : i32
      %mul3A_357 = arith.muli %scan3A_183, %mul3A_356 : i32
      %add3A_358 = arith.constant 2 : i32
      %add3A_359 = arith.addi %add3A_358, %mul3A_357 : i32
      %add3A_360 = arith.constant 4 : i32
      %add3A_361 = arith.addi %add3A_359, %add3A_360 : i32
      %dma_wait3A_362 = arith.constant 0 : i32
      %dma_wait3A_363 = arith.constant 0 : i32
      %dma_wait3A_364 = tpu.memref_slice %arg4[%dma_wait3A_362, %dma_wait3A_363] : memref<100000x128xf32, #tpu.memory_space<hbm>> -> memref<128x128xf32, #tpu.memory_space<hbm>>
      %dma_wait3A_365 = arith.constant 0 : i32
      %dma_wait3A_366 = arith.constant 0 : i32
      %dma_wait3A_367 = tpu.memref_slice %arg4[%dma_wait3A_365, %dma_wait3A_366] : memref<100000x128xf32, #tpu.memory_space<hbm>> -> memref<128x128xf32, #tpu.memory_space<hbm>>
      tpu.wait_dma2 semaphore(%arg30 : memref<!tpu.dma_semaphore, #tpu.memory_space<semaphore_mem>>) src(%dma_wait3A_367 : memref<128x128xf32, #tpu.memory_space<hbm>>) dst(%arg10 : memref<128x128xf32, #tpu.memory_space<vmem>>)
      %add3A_368 = arith.constant 3 : i32
      %add3A_369 = arith.addi %add3A_361, %add3A_368 : i32
      %mul3A_370 = arith.constant 128 : i32
      %mul3A_371 = arith.muli %add3A_369, %mul3A_370 : i32
      %dma_start3A_372 = tpu.memref_slice %arg7[%mul3A_371] : memref<3200xi32, #tpu.memory_space<vmem>> -> memref<128xi32, #tpu.memory_space<vmem>>
      %dma_start3A_373 = arith.constant 0 : i32
      %dma_start3A_374 = arith.constant 0 : i32
      %dma_start3A_375 = tpu.memref_slice %arg4[%dma_start3A_373, %dma_start3A_374] : memref<100000x128xf32, #tpu.memory_space<hbm>> -> memref<100000x128xf32, #tpu.memory_space<hbm>>
      tpu.enqueue_indirect_dma source(%dma_start3A_375 : memref<100000x128xf32, #tpu.memory_space<hbm>>) target(%arg14 : memref<128x128xf32, #tpu.memory_space<vmem>>) offsets(%dma_start3A_372 : memref<128xi32, #tpu.memory_space<vmem>>) semaphore(%arg20 : memref<!tpu.dma_semaphore, #tpu.memory_space<semaphore_mem>>)
      %dma_wait3A_376 = arith.constant 0 : i32
      %dma_wait3A_377 = arith.constant 0 : i32
      %dma_wait3A_378 = tpu.memref_slice %arg4[%dma_wait3A_376, %dma_wait3A_377] : memref<100000x128xf32, #tpu.memory_space<hbm>> -> memref<128x128xf32, #tpu.memory_space<hbm>>
      %dma_wait3A_379 = arith.constant 0 : i32
      %dma_wait3A_380 = arith.constant 0 : i32
      %dma_wait3A_381 = tpu.memref_slice %arg4[%dma_wait3A_379, %dma_wait3A_380] : memref<100000x128xf32, #tpu.memory_space<hbm>> -> memref<128x128xf32, #tpu.memory_space<hbm>>
      tpu.wait_dma2 semaphore(%arg17 : memref<!tpu.dma_semaphore, #tpu.memory_space<semaphore_mem>>) src(%dma_wait3A_381 : memref<128x128xf32, #tpu.memory_space<hbm>>) dst(%arg10 : memref<128x128xf32, #tpu.memory_space<vmem>>)
      %mul3A_382 = arith.constant 128 : i32
      %mul3A_383 = arith.muli %add3A_361, %mul3A_382 : i32
      %dma_start3A_384 = tpu.memref_slice %arg8[%mul3A_383] : memref<3200xi32, #tpu.memory_space<vmem>> -> memref<128xi32, #tpu.memory_space<vmem>>
      %dma_start3A_385 = arith.constant 0 : i32
      %dma_start3A_386 = arith.constant 0 : i32
      %dma_start3A_387 = tpu.memref_slice %arg9[%dma_start3A_385, %dma_start3A_386] : memref<1000x128xf32, #tpu.memory_space<vmem_shared>> -> memref<1000x128xf32, #tpu.memory_space<vmem_shared>>
      tpu.enqueue_indirect_dma source(%dma_start3A_387 : memref<1000x128xf32, #tpu.memory_space<vmem_shared>>) target(%arg11 : memref<128x128xf32, #tpu.memory_space<vmem>>) offsets(%dma_start3A_384 : memref<128xi32, #tpu.memory_space<vmem>>) semaphore(%arg22 : memref<!tpu.dma_semaphore, #tpu.memory_space<semaphore_mem>>) {add = true}
      %dma_wait3A_388 = tpu.memref_slice %arg8[%mul3A_383] : memref<3200xi32, #tpu.memory_space<vmem>> -> memref<128xi32, #tpu.memory_space<vmem>>
      %dma_wait3A_389 = arith.constant 0 : i32
      %dma_wait3A_390 = arith.constant 0 : i32
      %dma_wait3A_391 = tpu.memref_slice %arg9[%dma_wait3A_389, %dma_wait3A_390] : memref<1000x128xf32, #tpu.memory_space<vmem_shared>> -> memref<1000x128xf32, #tpu.memory_space<vmem_shared>>
      tpu.wait_indirect_dma semaphore(%arg22 : memref<!tpu.dma_semaphore, #tpu.memory_space<semaphore_mem>>) src(%dma_wait3A_391 : memref<1000x128xf32, #tpu.memory_space<vmem_shared>>) dst(%arg11 : memref<128x128xf32, #tpu.memory_space<vmem>>)
      %mul3A_392 = arith.constant 128 : i32
      %mul3A_393 = arith.muli %add3A_361, %mul3A_392 : i32
      %add3A_394 = arith.addi %select_n3A, %mul3A_393 : i32
      %dma_start3A_395 = arith.constant 0 : i32
      %dma_start3A_396 = tpu.memref_slice %arg6[%add3A_394, %dma_start3A_395] : memref<100000x128xf32, #tpu.memory_space<hbm>> -> memref<128x128xf32, #tpu.memory_space<hbm>>
      %dma_start3A_397 = arith.constant 0 : i32
      %dma_start3A_398 = tpu.memref_slice %arg6[%add3A_394, %dma_start3A_397] : memref<100000x128xf32, #tpu.memory_space<hbm>> -> memref<128x128xf32, #tpu.memory_space<hbm>>
      tpu.enqueue_dma source(%arg11 : memref<128x128xf32, #tpu.memory_space<vmem>>) target(%dma_start3A_398 : memref<128x128xf32, #tpu.memory_space<hbm>>) target_semaphore(%arg27 : memref<!tpu.dma_semaphore, #tpu.memory_space<semaphore_mem>>)
    }
    %scan3A_86 = arith.constant 4 : i32
    %dma_wait3A_87 = arith.constant 0 : i32
    %dma_wait3A_88 = arith.constant 0 : i32
    %dma_wait3A_89 = tpu.memref_slice %arg4[%dma_wait3A_87, %dma_wait3A_88] : memref<100000x128xf32, #tpu.memory_space<hbm>> -> memref<128x128xf32, #tpu.memory_space<hbm>>
    %dma_wait3A_90 = arith.constant 0 : i32
    %dma_wait3A_91 = arith.constant 0 : i32
    %dma_wait3A_92 = tpu.memref_slice %arg4[%dma_wait3A_90, %dma_wait3A_91] : memref<100000x128xf32, #tpu.memory_space<hbm>> -> memref<128x128xf32, #tpu.memory_space<hbm>>
    tpu.wait_dma2 semaphore(%arg18 : memref<!tpu.dma_semaphore, #tpu.memory_space<semaphore_mem>>) src(%dma_wait3A_92 : memref<128x128xf32, #tpu.memory_space<hbm>>) dst(%arg10 : memref<128x128xf32, #tpu.memory_space<vmem>>)
    %dma_start3A_93 = arith.constant 2816 : i32
    %dma_start3A_94 = tpu.memref_slice %arg8[%dma_start3A_93] : memref<3200xi32, #tpu.memory_space<vmem>> -> memref<128xi32, #tpu.memory_space<vmem>>
    %dma_start3A_95 = arith.constant 0 : i32
    %dma_start3A_96 = arith.constant 0 : i32
    %dma_start3A_97 = tpu.memref_slice %arg9[%dma_start3A_95, %dma_start3A_96] : memref<1000x128xf32, #tpu.memory_space<vmem_shared>> -> memref<1000x128xf32, #tpu.memory_space<vmem_shared>>
    tpu.enqueue_indirect_dma source(%dma_start3A_97 : memref<1000x128xf32, #tpu.memory_space<vmem_shared>>) target(%arg12 : memref<128x128xf32, #tpu.memory_space<vmem>>) offsets(%dma_start3A_94 : memref<128xi32, #tpu.memory_space<vmem>>) semaphore(%arg23 : memref<!tpu.dma_semaphore, #tpu.memory_space<semaphore_mem>>) {add = true}
    %dma_wait3A_98 = arith.constant 2816 : i32
    %dma_wait3A_99 = tpu.memref_slice %arg8[%dma_wait3A_98] : memref<3200xi32, #tpu.memory_space<vmem>> -> memref<128xi32, #tpu.memory_space<vmem>>
    %dma_wait3A_100 = arith.constant 0 : i32
    %dma_wait3A_101 = arith.constant 0 : i32
    %dma_wait3A_102 = tpu.memref_slice %arg9[%dma_wait3A_100, %dma_wait3A_101] : memref<1000x128xf32, #tpu.memory_space<vmem_shared>> -> memref<1000x128xf32, #tpu.memory_space<vmem_shared>>
    tpu.wait_indirect_dma semaphore(%arg23 : memref<!tpu.dma_semaphore, #tpu.memory_space<semaphore_mem>>) src(%dma_wait3A_102 : memref<1000x128xf32, #tpu.memory_space<vmem_shared>>) dst(%arg12 : memref<128x128xf32, #tpu.memory_space<vmem>>)
    %add3A_103 = arith.constant 2816 : i32
    %add3A_104 = arith.addi %select_n3A, %add3A_103 : i32
    %dma_start3A_105 = arith.constant 0 : i32
    %dma_start3A_106 = tpu.memref_slice %arg6[%add3A_104, %dma_start3A_105] : memref<100000x128xf32, #tpu.memory_space<hbm>> -> memref<128x128xf32, #tpu.memory_space<hbm>>
    %dma_start3A_107 = arith.constant 0 : i32
    %dma_start3A_108 = tpu.memref_slice %arg6[%add3A_104, %dma_start3A_107] : memref<100000x128xf32, #tpu.memory_space<hbm>> -> memref<128x128xf32, #tpu.memory_space<hbm>>
    tpu.enqueue_dma source(%arg12 : memref<128x128xf32, #tpu.memory_space<vmem>>) target(%dma_start3A_108 : memref<128x128xf32, #tpu.memory_space<hbm>>) target_semaphore(%arg28 : memref<!tpu.dma_semaphore, #tpu.memory_space<semaphore_mem>>)
    %dma_wait3A_109 = arith.constant 0 : i32
    %dma_wait3A_110 = arith.constant 0 : i32
    %dma_wait3A_111 = tpu.memref_slice %arg4[%dma_wait3A_109, %dma_wait3A_110] : memref<100000x128xf32, #tpu.memory_space<hbm>> -> memref<128x128xf32, #tpu.memory_space<hbm>>
    %dma_wait3A_112 = arith.constant 0 : i32
    %dma_wait3A_113 = arith.constant 0 : i32
    %dma_wait3A_114 = tpu.memref_slice %arg4[%dma_wait3A_112, %dma_wait3A_113] : memref<100000x128xf32, #tpu.memory_space<hbm>> -> memref<128x128xf32, #tpu.memory_space<hbm>>
    tpu.wait_dma2 semaphore(%arg19 : memref<!tpu.dma_semaphore, #tpu.memory_space<semaphore_mem>>) src(%dma_wait3A_114 : memref<128x128xf32, #tpu.memory_space<hbm>>) dst(%arg10 : memref<128x128xf32, #tpu.memory_space<vmem>>)
    %dma_start3A_115 = arith.constant 2944 : i32
    %dma_start3A_116 = tpu.memref_slice %arg8[%dma_start3A_115] : memref<3200xi32, #tpu.memory_space<vmem>> -> memref<128xi32, #tpu.memory_space<vmem>>
    %dma_start3A_117 = arith.constant 0 : i32
    %dma_start3A_118 = arith.constant 0 : i32
    %dma_start3A_119 = tpu.memref_slice %arg9[%dma_start3A_117, %dma_start3A_118] : memref<1000x128xf32, #tpu.memory_space<vmem_shared>> -> memref<1000x128xf32, #tpu.memory_space<vmem_shared>>
    tpu.enqueue_indirect_dma source(%dma_start3A_119 : memref<1000x128xf32, #tpu.memory_space<vmem_shared>>) target(%arg13 : memref<128x128xf32, #tpu.memory_space<vmem>>) offsets(%dma_start3A_116 : memref<128xi32, #tpu.memory_space<vmem>>) semaphore(%arg24 : memref<!tpu.dma_semaphore, #tpu.memory_space<semaphore_mem>>) {add = true}
    %dma_wait3A_120 = arith.constant 2944 : i32
    %dma_wait3A_121 = tpu.memref_slice %arg8[%dma_wait3A_120] : memref<3200xi32, #tpu.memory_space<vmem>> -> memref<128xi32, #tpu.memory_space<vmem>>
    %dma_wait3A_122 = arith.constant 0 : i32
    %dma_wait3A_123 = arith.constant 0 : i32
    %dma_wait3A_124 = tpu.memref_slice %arg9[%dma_wait3A_122, %dma_wait3A_123] : memref<1000x128xf32, #tpu.memory_space<vmem_shared>> -> memref<1000x128xf32, #tpu.memory_space<vmem_shared>>
    tpu.wait_indirect_dma semaphore(%arg24 : memref<!tpu.dma_semaphore, #tpu.memory_space<semaphore_mem>>) src(%dma_wait3A_124 : memref<1000x128xf32, #tpu.memory_space<vmem_shared>>) dst(%arg13 : memref<128x128xf32, #tpu.memory_space<vmem>>)
    %add3A_125 = arith.constant 2944 : i32
    %add3A_126 = arith.addi %select_n3A, %add3A_125 : i32
    %dma_start3A_127 = arith.constant 0 : i32
    %dma_start3A_128 = tpu.memref_slice %arg6[%add3A_126, %dma_start3A_127] : memref<100000x128xf32, #tpu.memory_space<hbm>> -> memref<128x128xf32, #tpu.memory_space<hbm>>
    %dma_start3A_129 = arith.constant 0 : i32
    %dma_start3A_130 = tpu.memref_slice %arg6[%add3A_126, %dma_start3A_129] : memref<100000x128xf32, #tpu.memory_space<hbm>> -> memref<128x128xf32, #tpu.memory_space<hbm>>
    tpu.enqueue_dma source(%arg13 : memref<128x128xf32, #tpu.memory_space<vmem>>) target(%dma_start3A_130 : memref<128x128xf32, #tpu.memory_space<hbm>>) target_semaphore(%arg29 : memref<!tpu.dma_semaphore, #tpu.memory_space<semaphore_mem>>)
    %dma_wait3A_131 = arith.constant 0 : i32
    %dma_wait3A_132 = arith.constant 0 : i32
    %dma_wait3A_133 = tpu.memref_slice %arg4[%dma_wait3A_131, %dma_wait3A_132] : memref<100000x128xf32, #tpu.memory_space<hbm>> -> memref<128x128xf32, #tpu.memory_space<hbm>>
    %dma_wait3A_134 = arith.constant 0 : i32
    %dma_wait3A_135 = arith.constant 0 : i32
    %dma_wait3A_136 = tpu.memref_slice %arg4[%dma_wait3A_134, %dma_wait3A_135] : memref<100000x128xf32, #tpu.memory_space<hbm>> -> memref<128x128xf32, #tpu.memory_space<hbm>>
    tpu.wait_dma2 semaphore(%arg20 : memref<!tpu.dma_semaphore, #tpu.memory_space<semaphore_mem>>) src(%dma_wait3A_136 : memref<128x128xf32, #tpu.memory_space<hbm>>) dst(%arg10 : memref<128x128xf32, #tpu.memory_space<vmem>>)
    %dma_start3A_137 = arith.constant 3072 : i32
    %dma_start3A_138 = tpu.memref_slice %arg8[%dma_start3A_137] : memref<3200xi32, #tpu.memory_space<vmem>> -> memref<128xi32, #tpu.memory_space<vmem>>
    %dma_start3A_139 = arith.constant 0 : i32
    %dma_start3A_140 = arith.constant 0 : i32
    %dma_start3A_141 = tpu.memref_slice %arg9[%dma_start3A_139, %dma_start3A_140] : memref<1000x128xf32, #tpu.memory_space<vmem_shared>> -> memref<1000x128xf32, #tpu.memory_space<vmem_shared>>
    tpu.enqueue_indirect_dma source(%dma_start3A_141 : memref<1000x128xf32, #tpu.memory_space<vmem_shared>>) target(%arg14 : memref<128x128xf32, #tpu.memory_space<vmem>>) offsets(%dma_start3A_138 : memref<128xi32, #tpu.memory_space<vmem>>) semaphore(%arg25 : memref<!tpu.dma_semaphore, #tpu.memory_space<semaphore_mem>>) {add = true}
    %dma_wait3A_142 = arith.constant 3072 : i32
    %dma_wait3A_143 = tpu.memref_slice %arg8[%dma_wait3A_142] : memref<3200xi32, #tpu.memory_space<vmem>> -> memref<128xi32, #tpu.memory_space<vmem>>
    %dma_wait3A_144 = arith.constant 0 : i32
    %dma_wait3A_145 = arith.constant 0 : i32
    %dma_wait3A_146 = tpu.memref_slice %arg9[%dma_wait3A_144, %dma_wait3A_145] : memref<1000x128xf32, #tpu.memory_space<vmem_shared>> -> memref<1000x128xf32, #tpu.memory_space<vmem_shared>>
    tpu.wait_indirect_dma semaphore(%arg25 : memref<!tpu.dma_semaphore, #tpu.memory_space<semaphore_mem>>) src(%dma_wait3A_146 : memref<1000x128xf32, #tpu.memory_space<vmem_shared>>) dst(%arg14 : memref<128x128xf32, #tpu.memory_space<vmem>>)
    %add3A_147 = arith.constant 3072 : i32
    %add3A_148 = arith.addi %select_n3A, %add3A_147 : i32
    %dma_start3A_149 = arith.constant 0 : i32
    %dma_start3A_150 = tpu.memref_slice %arg6[%add3A_148, %dma_start3A_149] : memref<100000x128xf32, #tpu.memory_space<hbm>> -> memref<128x128xf32, #tpu.memory_space<hbm>>
    %dma_start3A_151 = arith.constant 0 : i32
    %dma_start3A_152 = tpu.memref_slice %arg6[%add3A_148, %dma_start3A_151] : memref<100000x128xf32, #tpu.memory_space<hbm>> -> memref<128x128xf32, #tpu.memory_space<hbm>>
    tpu.enqueue_dma source(%arg14 : memref<128x128xf32, #tpu.memory_space<vmem>>) target(%dma_start3A_152 : memref<128x128xf32, #tpu.memory_space<hbm>>) target_semaphore(%arg30 : memref<!tpu.dma_semaphore, #tpu.memory_space<semaphore_mem>>)
    %dma_wait3A_153 = arith.constant 0 : i32
    %dma_wait3A_154 = arith.constant 0 : i32
    %dma_wait3A_155 = tpu.memref_slice %arg4[%dma_wait3A_153, %dma_wait3A_154] : memref<100000x128xf32, #tpu.memory_space<hbm>> -> memref<128x128xf32, #tpu.memory_space<hbm>>
    %dma_wait3A_156 = arith.constant 0 : i32
    %dma_wait3A_157 = arith.constant 0 : i32
    %dma_wait3A_158 = tpu.memref_slice %arg4[%dma_wait3A_156, %dma_wait3A_157] : memref<100000x128xf32, #tpu.memory_space<hbm>> -> memref<128x128xf32, #tpu.memory_space<hbm>>
    tpu.wait_dma2 semaphore(%arg26 : memref<!tpu.dma_semaphore, #tpu.memory_space<semaphore_mem>>) src(%dma_wait3A_158 : memref<128x128xf32, #tpu.memory_space<hbm>>) dst(%arg10 : memref<128x128xf32, #tpu.memory_space<vmem>>)
    %dma_wait3A_159 = arith.constant 0 : i32
    %dma_wait3A_160 = arith.constant 0 : i32
    %dma_wait3A_161 = tpu.memref_slice %arg4[%dma_wait3A_159, %dma_wait3A_160] : memref<100000x128xf32, #tpu.memory_space<hbm>> -> memref<128x128xf32, #tpu.memory_space<hbm>>
    %dma_wait3A_162 = arith.constant 0 : i32
    %dma_wait3A_163 = arith.constant 0 : i32
    %dma_wait3A_164 = tpu.memref_slice %arg4[%dma_wait3A_162, %dma_wait3A_163] : memref<100000x128xf32, #tpu.memory_space<hbm>> -> memref<128x128xf32, #tpu.memory_space<hbm>>
    tpu.wait_dma2 semaphore(%arg27 : memref<!tpu.dma_semaphore, #tpu.memory_space<semaphore_mem>>) src(%dma_wait3A_164 : memref<128x128xf32, #tpu.memory_space<hbm>>) dst(%arg10 : memref<128x128xf32, #tpu.memory_space<vmem>>)
    %dma_wait3A_165 = arith.constant 0 : i32
    %dma_wait3A_166 = arith.constant 0 : i32
    %dma_wait3A_167 = tpu.memref_slice %arg4[%dma_wait3A_165, %dma_wait3A_166] : memref<100000x128xf32, #tpu.memory_space<hbm>> -> memref<128x128xf32, #tpu.memory_space<hbm>>
    %dma_wait3A_168 = arith.constant 0 : i32
    %dma_wait3A_169 = arith.constant 0 : i32
    %dma_wait3A_170 = tpu.memref_slice %arg4[%dma_wait3A_168, %dma_wait3A_169] : memref<100000x128xf32, #tpu.memory_space<hbm>> -> memref<128x128xf32, #tpu.memory_space<hbm>>
    tpu.wait_dma2 semaphore(%arg28 : memref<!tpu.dma_semaphore, #tpu.memory_space<semaphore_mem>>) src(%dma_wait3A_170 : memref<128x128xf32, #tpu.memory_space<hbm>>) dst(%arg10 : memref<128x128xf32, #tpu.memory_space<vmem>>)
    %dma_wait3A_171 = arith.constant 0 : i32
    %dma_wait3A_172 = arith.constant 0 : i32
    %dma_wait3A_173 = tpu.memref_slice %arg4[%dma_wait3A_171, %dma_wait3A_172] : memref<100000x128xf32, #tpu.memory_space<hbm>> -> memref<128x128xf32, #tpu.memory_space<hbm>>
    %dma_wait3A_174 = arith.constant 0 : i32
    %dma_wait3A_175 = arith.constant 0 : i32
    %dma_wait3A_176 = tpu.memref_slice %arg4[%dma_wait3A_174, %dma_wait3A_175] : memref<100000x128xf32, #tpu.memory_space<hbm>> -> memref<128x128xf32, #tpu.memory_space<hbm>>
    tpu.wait_dma2 semaphore(%arg29 : memref<!tpu.dma_semaphore, #tpu.memory_space<semaphore_mem>>) src(%dma_wait3A_176 : memref<128x128xf32, #tpu.memory_space<hbm>>) dst(%arg10 : memref<128x128xf32, #tpu.memory_space<vmem>>)
    %dma_wait3A_177 = arith.constant 0 : i32
    %dma_wait3A_178 = arith.constant 0 : i32
    %dma_wait3A_179 = tpu.memref_slice %arg4[%dma_wait3A_177, %dma_wait3A_178] : memref<100000x128xf32, #tpu.memory_space<hbm>> -> memref<128x128xf32, #tpu.memory_space<hbm>>
    %dma_wait3A_180 = arith.constant 0 : i32
    %dma_wait3A_181 = arith.constant 0 : i32
    %dma_wait3A_182 = tpu.memref_slice %arg4[%dma_wait3A_180, %dma_wait3A_181] : memref<100000x128xf32, #tpu.memory_space<hbm>> -> memref<128x128xf32, #tpu.memory_space<hbm>>
    tpu.wait_dma2 semaphore(%arg30 : memref<!tpu.dma_semaphore, #tpu.memory_space<semaphore_mem>>) src(%dma_wait3A_182 : memref<128x128xf32, #tpu.memory_space<hbm>>) dst(%arg10 : memref<128x128xf32, #tpu.memory_space<vmem>>)
    return
  }
}

</mosaic_0001>

<sc_bundles>
// kernel: kernel.3.cloned.1.call-start
scs
__scs_entry_jumppad:
0x0: {  	(pc) =	sbr.rel $0x88, $3  }
0x1: {  	(tag) =	ssettag $0x0;
	lr =	simm.s32 $0x1  }
0x2: {  	[smem:$0x3F9D] =	sst lr;
	_ =	strace $0xD0000000  }
0x3: {  	_ = 	snop  }
0x4: {  	_ = 	snop  }
0x5: {  	_ = 	snop  }
0x6: {  	_ = 	snop  }
0x7: {  	_ = 	snop  }
__scs_overlays_trampoline_lowered:
0x8: {  	[smem:$0x3FAC] =	sst s0  }
0x9: {  	[smem:$0x3FAD] =	sst s1  }
0xa: {  	[smem:$0x3FAE] =	sst s2  }
0xb: {  	[smem:$0x3FAF] =	sst s3  }
0xc: {  	[smem:$0x3FB0] =	sst s4  }
0xd: {  	[smem:$0x3FB1] =	sst s5  }
0xe: {  	[smem:$0x3FB2] =	sst s6  }
0xf: {  	[smem:$0x3FB3] =	sst s7  }
0x10: {  	[smem:$0x3FB4] =	sst s8  }
0x11: {  	[smem:$0x3FB5] =	sst s9;
	s0 =	simm.s32 @!p0 $0x0  }
0x12: {  	s1 =	sld [smem:$0x3F9B];
	s0 =	simm.s32 @p0 $0x1  }
0x13: {  	[smem:$0x3FB6] =	sst s0;
	s0 =	simm.s32 @!p1 $0x0  }
0x14: {  	s2 =	sld [smem:$0x3F9A];
	s0 =	simm.s32 @p1 $0x1  }
0x15: {  	[smem:$0x3FB7] =	sst s0;
	s0 =	simm.s32 @!p2 $0x0  }
0x16: {  	s3 =	sld [smem:$0x3FDB];
	s0 =	simm.s32 @p2 $0x1  }
0x17: {  	s4 =	simm.s32 $0x1BF5;
	[smem:$0x3FB9] =	sst s0  }
0x18: {  	s0 =	sld [smem:$0x3F9C];
	_ =	swait.ge [sflag:s4], $0x0  }
0x19: {  	s7 =	sld [smem:$0x3F9D]  }
0x1a: {  	s8 =	sadd.s32 $0xFFFFE003, lr  }
0x1b: {  	s9 =	sadd.s32 $0xFFFFFEF7, lr;
	s5 =	simm.s32 $0xFFFFFFFF;
	p2 =	slt.u32 s8, $0xFFFFF086  }
0x1c: {  	p1 =	slt.u32 s9, $0xF7A;
	s5 =	simm.s32 @!p2 $0x0  }
0x1d: {  	s5 =	simm.s32 @p1 $0x1;
	p0 =	seq.s32 s7, s2  }
0x1e: {  	s7 =	smul.u32 @!p0 $0xF7A, s2;
	p2 =	seq.s32 @!p0 s5, $0x0  }
0x1f: {  	s9 =	smul.u32 $0xF7A, s1;
	s8 =	simm.s32 @!p0 $0x1BF5;
	p2 =	por !p2, p0  }
0x20: {  	[sflag:s8] =	ssyncset.s32 @!p0 $0xFFFFF086;
	s6 =	sadd.s32 @!p0 s3, s7;
	s7 =	simm.s32 @!p0 $0x108  }
0x21: {  	s3 =	sadd.s32 s3, s9;
	s6 =	sadd.s32 @!p0 $0x88, s6;
	s7 =	simm.s32 @p2 $0x1082  }
0x22: {  	[simem:s7], [sflag:s8] =	dma.local @!p0 [hbm:s6], $0xF7A  }
0x23: {  	s9 =	sor.u32 $0xD0000000, s2;
	s6 =	simm.s32 $0x108;
	_ =	swait.ge @!p0 [sflag:s8], $0x0  }
0x24: {  	s3 =	sadd.s32 $0x88, s3;
	s6 =	simm.s32 @!p1 $0x1082;
	[sflag:s4] =	ssyncset.s32 $0xFFFFF086  }
0x25: {  	[simem:s6], [sflag:s4] =	dma.local [hbm:s3], $0xF7A  }
0x26: {  	[smem:$0x3F9D] =	sst s1;
	(tag) =	ssettag s2;
	_ =	strace s9  }
0x27: {  	s1 =	sld [smem:$0x3FAD]  }
0x28: {  	s2 =	sld [smem:$0x3FAE]  }
0x29: {  	s4 =	sld [smem:$0x3FB0]  }
0x2a: {  	p0 =	seq.s32 s5, $0x0;
	s5 =	sld [smem:$0x3FB1]  }
0x2b: {  	s6 =	sld [smem:$0x3FB2]  }
0x2c: {  	s7 =	sld [smem:$0x3FB3]  }
0x2d: {  	s3 =	simm.s32 $0x108;
	s8 =	sld [smem:$0x3FB4]  }
0x2e: {  	s3 =	simm.s32 @!p0 $0x1082;
	s9 =	sld [smem:$0x3FB5]  }
0x2f: {  	lr =	sadd.s32 s0, s3;
	s0 =	sld [smem:$0x3FAC]  }
0x30: {  	s3 =	sld [smem:$0x3FAF]  }
0x31: {  	[smem:$0x3FB8] =	sst s10  }
0x32: {  	s10 =	sld [smem:$0x3FB6];
	_ =	sdelay $0x3  }
0x33: {  	p0 =	seq.s32 s10, $0x1;
	s10 =	sld [smem:$0x3FB8];
	_ =	sdelay $0x3  }
0x34: {  	[smem:$0x3FB8] =	sst s10  }
0x35: {  	s10 =	sld [smem:$0x3FB7];
	_ =	sdelay $0x3  }
0x36: {  	p1 =	seq.s32 s10, $0x1;
	s10 =	sld [smem:$0x3FB8];
	_ =	sdelay $0x3  }
0x37: {  	[smem:$0x3FB8] =	sst s10  }
0x38: {  	s10 =	sld [smem:$0x3FB9]  }
0x39: {  	_ = 	snop;
	(pc) =	sbr.ind lr, $3  }
0x3a: {  	_ = 	snop  }
0x3b: {  	_ = 	snop  }
0x3c: {  	p2 =	seq.s32 s10, $0x1;
	s10 =	sld [smem:$0x3FB8]  }
0x3d: {  	_ =	shalt  }
0x3e: {  	_ =	shalt  }
0x3f: {  	_ =	shalt  }
0x40: {  	_ =	shalt  }
0x41: {  	_ =	shalt  }
0x42: {  	_ =	shalt  }
0x43: {  	_ =	shalt  }
0x44: {  	_ =	shalt  }
0x45: {  	_ =	shalt  }
0x46: {  	_ =	shalt  }
0x47: {  	_ =	shalt  }
0x48: {  	_ =	shalt  }
0x49: {  	_ =	shalt  }
0x4a: {  	_ =	shalt  }
0x4b: {  	_ =	shalt  }
0x4c: {  	_ =	shalt  }
0x4d: {  	_ =	shalt  }
0x4e: {  	_ =	shalt  }
0x4f: {  	_ =	shalt  }
0x50: {  	_ =	shalt  }
0x51: {  	_ =	shalt  }
0x52: {  	_ =	shalt  }
0x53: {  	_ =	shalt  }
0x54: {  	_ =	shalt  }
0x55: {  	_ =	shalt  }
0x56: {  	_ =	shalt  }
0x57: {  	_ =	shalt  }
0x58: {  	_ =	shalt  }
0x59: {  	_ =	shalt  }
0x5a: {  	_ =	shalt  }
0x5b: {  	_ =	shalt  }
0x5c: {  	_ =	shalt  }
0x5d: {  	_ =	shalt  }
0x5e: {  	_ =	shalt  }
0x5f: {  	_ =	shalt  }
0x60: {  	_ =	shalt  }
0x61: {  	_ =	shalt  }
0x62: {  	_ =	shalt  }
0x63: {  	_ =	shalt  }
0x64: {  	_ =	shalt  }
0x65: {  	_ =	shalt  }
0x66: {  	_ =	shalt  }
0x67: {  	_ =	shalt  }
0x68: {  	_ =	shalt  }
0x69: {  	_ =	shalt  }
0x6a: {  	_ =	shalt  }
0x6b: {  	_ =	shalt  }
0x6c: {  	_ =	shalt  }
0x6d: {  	_ =	shalt  }
0x6e: {  	_ =	shalt  }
0x6f: {  	_ =	shalt  }
0x70: {  	_ =	shalt  }
0x71: {  	_ =	shalt  }
0x72: {  	_ =	shalt  }
0x73: {  	_ =	shalt  }
0x74: {  	_ =	shalt  }
0x75: {  	_ =	shalt  }
0x76: {  	_ =	shalt  }
0x77: {  	_ =	shalt  }
0x78: {  	_ =	shalt  }
0x79: {  	_ =	shalt  }
0x7a: {  	_ =	shalt  }
0x7b: {  	_ =	shalt  }
0x7c: {  	_ =	shalt  }
0x7d: {  	_ =	shalt  }
0x7e: {  	_ =	shalt  }
0x7f: {  	_ =	shalt  }
0x80: {  	_ =	shalt  }
0x81: {  	_ =	shalt  }
0x82: {  	_ =	shalt  }
0x83: {  	_ =	shalt  }
0x84: {  	_ =	shalt  }
0x85: {  	_ =	shalt  }
0x86: {  	_ =	shalt  }
0x87: {  	_ =	shalt  }
.Lfunc_end0:
.L_simem_size_0:
called_computation.1_lowered:
.L_overlay_start_0:
0x88: {  	s2 =	sld [smem:$0x3FD9]  }
0x89: {  	s3 =	sld [smem:$0x3FFE];
	_ =	sdelay $0x1  }
0x8a: {  	s1 =	srdreg.scid  }
0x8b: {  	s0 =	sand.u32 $0x1, s1  }
0x8c: {  	s17 =	sshll.u32 s0, $0xA;
	s2 =	sadd.s32 s3, s2  }
0x8d: {  	s2 =	sadd.s32 s2, s17  }
0x8e: {  	[smem:$0x3FC4] =	sst s2  }
0x8f: {  	_ = 	snop  }
0x90: {  	s2 =	sld [smem:$0x3FC9]  }
0x91: {  	s18 =	sld [smem:$0x3FC8]  }
0x92: {  	s4 =	sld [smem:$0x3FD0];
	(tm) =	ssettm $0x1  }
0x93: {  	s5 =	sld [smem:$0x3FFB];
	_ =	sdelay $0x3  }
0x94: {  	_ =	strace s5  }
0x95: {  	s5 =	sld [smem:$0x3FFC];
	_ =	sdelay $0x3  }
0x96: {  	_ =	strace s5  }
0x97: {  	s5 =	sld [smem:$0x3FFD];
	_ =	sdelay $0x3  }
0x98: {  	_ =	strace s5  }
0x99: {  	_ =	strace $0x8FFFFFFF  }
0x9a: {  	s19 =	sld [smem:$0x3FDB];
	_ =	sdelay $0x1  }
0x9b: {  	s6 =	simm.s32 $_scs_section_size  }
0x9c: {  	s7 =	simm.s32 $_size__tile_overlayer_lowered;
	s8 =	simm.s32 $_tile_overlayer_lowered  }
0x9d: {  	s22 =	simm.s32 $0x1BFF;
	s21 =	sshll.u32 s8, $0x1;
	s5 =	sadd.s32 s6, s19  }
0x9e: {  	s9 =	simm.s32 $0x0;
	s20 =	sshll.u32 s7, $0x1;
	s7 =	sadd.s32 s21, s5  }
0x9f: {  	[timem:s9], [sflag:s22] =	dma.local [hbm:s7], s20  }
0xa0: {  	_ =	swait.ge [sflag:s22], s20  }
0xa1: {  	s6 =	ssub.s32 $0x0, s20;
	[sflag:s22] =	ssyncset.done $0x0  }
0xa2: {  	[sflag:s22] =	ssyncadd.s32 s6;
	_ =	sdelay $0x1  }
0xa3: {  	s23 =	simm.s32 $0x1B8B  }
0xa4: {  	_ =	swait.ge [sflag:s23], $0x1  }
0xa5: {  	[sflag:s23] =	ssyncset.done $0x0  }
0xa6: {  	s25 =	simm.s32 $0x1B8E;
	s24 =	sld [smem:$0x3FFE];
	[sflag:s23] =	ssyncadd.s32 $0xFFFFFFFF  }
0xa7: {  	s26 =	simm.s32 $execute0_lowered;
	[smem:$0x3FD2] =	sst s25  }
0xa8: {  	s7 =	sshll.u32 s26, $0x1;
	_ =	strace $0x80000046;
	[dreg:$0x1] =	wrdreg $0xFFFFFFFF  }
0xa9: {  	s28 =	simm.s32 $_size_execute0_lowered;
	s5 =	sadd.s32 s5, s7;
	[dreg:$0x0] =	wrdreg $0x0  }
0xaa: {  	s7 =	sshll.u32 s28, $0x1;
	[dreg:$0x2] =	wrdreg s5  }
0xab: {  	[dreg:$0x3] =	wrdreg s7  }
0xac: {  	[dreg:$0x4] =	wrdreg $0xC0  }
0xad: {  	_ =	task [dreg:s9], $0x5FFFF  }
0xae: {  	[dreg:$0x1] =	wrdreg $0xFFFFFFFF  }
0xaf: {  	[dreg:$0x0] =	wrdreg $0x60  }
0xb0: {  	[dreg:$0x2] =	wrdreg s2  }
0xb1: {  	[dreg:$0x3] =	wrdreg s18  }
0xb2: {  	[dreg:$0x4] =	wrdreg s24  }
0xb3: {  	[dreg:$0x5] =	wrdreg s4  }
0xb4: {  	[dreg:$0x6] =	wrdreg $0x19000  }
0xb5: {  	[dreg:$0x7] =	wrdreg $0x9  }
0xb6: {  	_ =	task.clear_ibuf [dreg:s9], $0x8FFFF;
	_ =	strace $0x90000046  }
0xb7: {  	s29 =	simm.s32 $0x9;
	_ =	strace $0x80000048  }
0xb8: {  	_ =	swait.ge [sflag:s29], $0x1  }
0xb9: {  	[sflag:s29] =	ssyncadd.s32 $0xFFFFFFFF  }
0xba: {  	_ =	strace $0x90000048  }
0xbb: {  	_ =	sfence  }
0xbc: {  	s30 =	sld [smem:$0x0];
	_ =	sdelay $0x2  }
0xbd: {  	s31 =	sshll.u32 s1, $0xD;
	s1 =	sshrl.u32 s1, $0x2  }
0xbe: {  	s3 =	sand.u32 $0x4000, s31;
	s1 =	sadd.s32 s1, s30  }
0xbf: {  	s0 =	sor.u32 s3, s0;
	s1 =	sshll.u32 s1, $0x11  }
0xc0: {  	s0 =	sor.u32 s1, s0  }
0xc1: {  	s0 =	sadd.s32 $0x8F2B, s0  }
0xc2: {  	[sflag:s0] =	ssyncadd.remote.s32 $0x1  }
0xc3: {  	_ =	sfence.sel $0xFFFF  }
0xc4: {  	[dreg:$0x0] =	wrdreg $0xFFFFFFFF;
	(pc) =	sbr.abs _section_cstart, $3  }
0xc5: {  	[dreg:$0x1] =	wrdreg $0xFFFFFFFF  }
0xc6: {  	_ =	task.clear_ibuf [dreg:s9], $0x2FFFF;
	_ =	strace $0x9FFFFFFF  }
0xc7: {  	(tm) =	ssettm $0x7FFFFFFF  }
tec
execute0_lowered:
.L_overlay_start_1:
0x0: {  	(tag) =	ssettag $0x1  }
0x1: {  	s0 =	rddreg [dreg:$0x0]  }
0x2: {  	s1 =	rddreg [dreg:$0x1]  }
0x3: {  	s5 =	rddreg [dreg:$0x2]  }
0x4: {  	s2 =	srdreg.scid;
	s6 =	stileid.u32  }
0x5: {  	s16 =	simm.s32 $0x1;
	s17 =	simm.s32 $0x80;
	s18 =	simm.s32 $0x3840  }
0x6: {  	s28 =	simm.s32 $0x13840;
	s29 =	simm.s32 $0x3;
	s31 =	simm.s32 $0x8  }
0x7: {  	s30 =	simm.s32 $0xA;
	s4 =	sand.u32 $0x1, s2;
	s3 =	sshll.u32 s6, $0x1  }
0x8: {  	s14 =	simm.s32 $0x0;
	s2 =	rddreg [dreg:$0x4];
	s7 =	sor.u32 s4, s3  }
0x9: {  	s3 =	simm.s32 $0x0;
	s19 =	ssub.s32 $0x2, s4;
	s4 =	sadd.s32 $0x187200, s5  }
0xa: {  	s8 =	smul.u32 $0xC80, s7;
	[smem:$0x7FF] =	sst s3;
	s10 =	sshrl.u32 s19, $0x1  }
0xb: {  	p0 =	seq.s32 s7, $0x1F;
	_ =	strace $0x80000047;
	s7 =	ssub.s32 s19, s10  }
0xc: {  	s19 =	simm.s32 $0x7840;
	s8 =	simm.s32 @p0 $0x17A20;
	s26 =	smax.u32 s7, $0x1  }
0xd: {  	p0 =	sne.s32 s6, $0x0;
	s9 =	sshll.u32 s8, $0x4;
	s8 =	sshrl.u32 s8, $0x3  }
0xe: {  	s6 =	simm.s32 $0x6;
	[dreg:$0xd] =	wrdreg s26;
	s0 =	sadd.s32 s0, s8  }
0xf: {  	s5 =	sadd.s32 s9, s5;
	s20 =	sadd.s32 s1, s8;
	[dreg:$0x6] =	wrdreg s0  }
0x10: {  	s7 =	simm.s32 $0xB;
	[dreg:$0x7] =	wrdreg s20;
	s21 =	sadd.s32 $0x800, s5  }
0x11: {  	s26 =	simm.s32 $0x5;
	s22 =	sadd.s32 $0x1000, s5;
	[dreg:$0x8] =	wrdreg s21  }
0x12: {  	s1 =	simm.s32 $0x4;
	s23 =	sadd.s32 $0xB800, s5;
	[dreg:$0x9] =	wrdreg s22  }
0x13: {  	s8 =	simm.s32 $0xF;
	s24 =	sadd.s32 $0xC000, s5;
	[dreg:$0xa] =	wrdreg s23  }
0x14: {  	s9 =	simm.s32 $0x10;
	s25 =	sadd.s32 $0xC800, s5;
	[dreg:$0xb] =	wrdreg s24  }
0x15: {  	s13 =	sadd.s32 $0x2000, s5;
	s0 =	sshrl.u32 @!p0 s2, $0x3;
	[dreg:$0xc] =	wrdreg s25  }
0x16: {  	s20 =	simm.s32 $0x9;
	s5 =	simm.s32 $0xE;
	[dreg:$0xe] =	wrdreg s0  }
0x17: {  	s21 =	simm.s32 $0xB840;
	s23 =	simm.s32 $0xF840;
	s24 =	simm.s32 $0x2  }
0x18: {  	s25 =	simm.s32 $0x7;
	s0 =	simm.s32 $0xC;
	s22 =	simm.s32 $0xD  }
.LBB2_1:
0x19: {  	s10 =	rddreg [dreg:$0x6]  }
0x1a: {  	s11 =	rddreg [dreg:$0x7]  }
0x1b: {  	[tilespmem:s3], [sflag:$0x1] =	stream.linear.gather [hbm4b:s10+s3], $0xC80, $0x38;
	[tilespmem:$0x17840] =	vst v63  }
0x1c: {  	s12 =	simm.s32 $0xC80;
	s15 =	rddreg [dreg:$0xe]  }
0x1d: {  	[tilespmem:s12], [sflag:$0x1] =	stream.linear.gather [hbm4b:s11+s3], $0xC80, $0x38;
	[tilespmem:$0x17840] =	vst v63  }
0x1e: {  	s10 =	simm.s32 @!p0 $0x1C11;
	s11 =	rddreg [dreg:$0x3]  }
0x1f: {  	[spmem:s15], [sflag:s10] =	dma.local @!p0 [hbm:s11], $0x3E80  }
0x20: {  	s10 =	simm.s32 @!p0 $0x11  }
0x21: {  	_ =	swait.ge @!p0 [sflag:s10], $0x3E80  }
0x22: {  	[sflag:s10] =	ssyncset.done @!p0 $0x0  }
0x23: {  	[sflag:s10] =	ssyncadd.s32 @!p0 $0xFFFFC180  }
0x24: {  	_ =	swait.ge [sflag:s16], $0xC80  }
0x25: {  	[sflag:s16] =	ssyncset.done $0x0  }
0x26: {  	[sflag:s16] =	ssyncadd.s32 $0xFFFFF380  }
0x27: {  	_ =	swait.ge [sflag:s16], $0xC80  }
0x28: {  	[sflag:s16] =	ssyncset.done $0x0  }
0x29: {  	[sflag:s16] =	ssyncadd.s32 $0xFFFFF380  }
0x2a: {  	[tilespmem:s18], [sflag:$0x2] =	stream.indirect.gather [hbm4b:s4+s17], $0x80, s3, s17, $0xb8;
	[tilespmem:$0x17840] =	vst v63  }
0x2b: {  	_ = 	snop  }
0x2c: {  	[tilespmem:s19], [sflag:$0x3] =	stream.indirect.gather [hbm4b:s4+s17], $0x80, s17, s17, $0xb8;
	[tilespmem:$0x17840] =	vst v63  }
0x2d: {  	s15 =	simm.s32 $0x100  }
0x2e: {  	[tilespmem:s21], [sflag:$0x4] =	stream.indirect.gather [hbm4b:s4+s17], $0x80, s15, s17, $0xb8;
	[tilespmem:$0x17840] =	vst v63  }
0x2f: {  	s11 =	simm.s32 $0x180;
	[bflag:$0x0] =	sbarrier.arrive $0xFFFF  }
0x30: {  	[tilespmem:s23], [sflag:$0x5] =	stream.indirect.gather [hbm4b:s4+s17], $0x80, s11, s17, $0xb8;
	[tilespmem:$0x17840] =	vst v63  }
0x31: {  	_ =	swait.ge [sflag:s24], $0x4000  }
0x32: {  	[sflag:s24] =	ssyncset.done $0x0  }
0x33: {  	[sflag:s24] =	ssyncadd.s32 $0xFFFFC000  }
0x34: {  	[tilespmem:s18], [sflag:$0x7] =	stream.indirect.gather.add.f32 [spmem:s2], $0x80, s12, s17, $0xb8;
	[tilespmem:$0x17840] =	vst v63  }
0x35: {  	_ =	swait.ge [sflag:s25], $0x4000  }
0x36: {  	[sflag:s25] =	ssyncset.done $0x0  }
0x37: {  	s12 =	rddreg [dreg:$0x8];
	[sflag:s25] =	ssyncadd.s32 $0xFFFFC000  }
0x38: {  	[hbm4b:s12+s3] =	stream.linear.scatter [tilespmem:s18], [sflag:$0xC], $0x4000, $0x38;
	[tilespmem:$0x17840] =	vst v63  }
0x39: {  	s15 =	simm.s32 $0x200  }
0x3a: {  	[tilespmem:s28], [sflag:$0x6] =	stream.indirect.gather [hbm4b:s4+s17], $0x80, s15, s17, $0xb8;
	[tilespmem:$0x17840] =	vst v63  }
0x3b: {  	_ =	swait.ge [sflag:s29], $0x4000  }
0x3c: {  	[sflag:s29] =	ssyncset.done $0x0  }
0x3d: {  	s11 =	simm.s32 $0xD00;
	[sflag:s29] =	ssyncadd.s32 $0xFFFFC000  }
0x3e: {  	[tilespmem:s19], [sflag:$0x8] =	stream.indirect.gather.add.f32 [spmem:s2], $0x80, s11, s17, $0xb8;
	[tilespmem:$0x17840] =	vst v63  }
0x3f: {  	_ =	swait.ge [sflag:s31], $0x4000  }
0x40: {  	[sflag:s31] =	ssyncset.done $0x0  }
0x41: {  	s12 =	rddreg [dreg:$0x9];
	[sflag:s31] =	ssyncadd.s32 $0xFFFFC000  }
0x42: {  	[hbm4b:s12+s3] =	stream.linear.scatter [tilespmem:s19], [sflag:$0xD], $0x4000, $0x38;
	[tilespmem:$0x17840] =	vst v63  }
0x43: {  	_ =	swait.ge [sflag:s0], $0x4000  }
0x44: {  	[sflag:s0] =	ssyncset.done $0x0  }
0x45: {  	s15 =	simm.s32 $0x280;
	[sflag:s0] =	ssyncadd.s32 $0xFFFFC000  }
0x46: {  	[tilespmem:s18], [sflag:$0x2] =	stream.indirect.gather [hbm4b:s4+s17], $0x80, s15, s17, $0xb8;
	[tilespmem:$0x17840] =	vst v63  }
0x47: {  	_ =	swait.ge [sflag:s1], $0x4000  }
0x48: {  	[sflag:s1] =	ssyncset.done $0x0  }
0x49: {  	s11 =	simm.s32 $0xD80;
	[sflag:s1] =	ssyncadd.s32 $0xFFFFC000  }
0x4a: {  	[tilespmem:s21], [sflag:$0x9] =	stream.indirect.gather.add.f32 [spmem:s2], $0x80, s11, s17, $0xb8;
	[tilespmem:$0x17840] =	vst v63  }
0x4b: {  	_ =	swait.ge [sflag:s20], $0x4000  }
0x4c: {  	[sflag:s20] =	ssyncset.done $0x0  }
0x4d: {  	s12 =	sadd.s32 $0xFFFFF800, s13;
	[sflag:s20] =	ssyncadd.s32 $0xFFFFC000  }
0x4e: {  	[hbm4b:s12+s3] =	stream.linear.scatter [tilespmem:s21], [sflag:$0xE], $0x4000, $0x38;
	[tilespmem:$0x17840] =	vst v63  }
0x4f: {  	_ =	swait.ge [sflag:s22], $0x4000  }
0x50: {  	[sflag:s22] =	ssyncset.done $0x0  }
0x51: {  	s15 =	simm.s32 $0x300;
	[sflag:s22] =	ssyncadd.s32 $0xFFFFC000  }
0x52: {  	[tilespmem:s19], [sflag:$0x3] =	stream.indirect.gather [hbm4b:s4+s17], $0x80, s15, s17, $0xb8;
	[tilespmem:$0x17840] =	vst v63  }
0x53: {  	_ =	swait.ge [sflag:s26], $0x4000  }
0x54: {  	[sflag:s26] =	ssyncset.done $0x0  }
0x55: {  	s11 =	simm.s32 $0xE00;
	[sflag:s26] =	ssyncadd.s32 $0xFFFFC000  }
0x56: {  	[tilespmem:s23], [sflag:$0xA] =	stream.indirect.gather.add.f32 [spmem:s2], $0x80, s11, s17, $0xb8;
	[tilespmem:$0x17840] =	vst v63  }
0x57: {  	_ =	swait.ge [sflag:s30], $0x4000  }
0x58: {  	[sflag:s30] =	ssyncset.done $0x0  }
0x59: {  	[sflag:s30] =	ssyncadd.s32 $0xFFFFC000  }
0x5a: {  	[hbm4b:s13+s3] =	stream.linear.scatter [tilespmem:s23], [sflag:$0xF], $0x4000, $0x38;
	[tilespmem:$0x17840] =	vst v63  }
0x5b: {  	_ =	swait.ge [sflag:s5], $0x4000  }
0x5c: {  	[sflag:s5] =	ssyncset.done $0x0  }
0x5d: {  	s12 =	simm.s32 $0x380;
	[sflag:s5] =	ssyncadd.s32 $0xFFFFC000  }
0x5e: {  	[tilespmem:s21], [sflag:$0x4] =	stream.indirect.gather [hbm4b:s4+s17], $0x80, s12, s17, $0xb8;
	[tilespmem:$0x17840] =	vst v63  }
0x5f: {  	_ =	swait.ge [sflag:s6], $0x4000  }
0x60: {  	[sflag:s6] =	ssyncset.done $0x0  }
0x61: {  	s15 =	simm.s32 $0xE80;
	[sflag:s6] =	ssyncadd.s32 $0xFFFFC000  }
0x62: {  	[tilespmem:s28], [sflag:$0xB] =	stream.indirect.gather.add.f32 [spmem:s2], $0x80, s15, s17, $0xb8;
	[tilespmem:$0x17840] =	vst v63  }
0x63: {  	_ =	swait.ge [sflag:s7], $0x4000  }
0x64: {  	[sflag:s7] =	ssyncset.done $0x0  }
0x65: {  	s11 =	sadd.s32 $0x800, s13;
	[sflag:s7] =	ssyncadd.s32 $0xFFFFC000  }
0x66: {  	[hbm4b:s11+s3] =	stream.linear.scatter [tilespmem:s28], [sflag:$0x10], $0x4000, $0x38;
	[tilespmem:$0x17840] =	vst v63  }
0x67: {  	_ =	swait.ge [sflag:s8], $0x4000  }
0x68: {  	[sflag:s8] =	ssyncset.done $0x0  }
0x69: {  	s12 =	simm.s32 $0x400;
	[sflag:s8] =	ssyncadd.s32 $0xFFFFC000  }
0x6a: {  	[tilespmem:s23], [sflag:$0x5] =	stream.indirect.gather [hbm4b:s4+s17], $0x80, s12, s17, $0xb8;
	[tilespmem:$0x17840] =	vst v63  }
0x6b: {  	_ =	swait.ge [sflag:s24], $0x4000  }
0x6c: {  	[sflag:s24] =	ssyncset.done $0x0  }
0x6d: {  	s15 =	simm.s32 $0xF00;
	[sflag:s24] =	ssyncadd.s32 $0xFFFFC000  }
0x6e: {  	[tilespmem:s18], [sflag:$0x7] =	stream.indirect.gather.add.f32 [spmem:s2], $0x80, s15, s17, $0xb8;
	[tilespmem:$0x17840] =	vst v63  }
0x6f: {  	_ =	swait.ge [sflag:s25], $0x4000  }
0x70: {  	[sflag:s25] =	ssyncset.done $0x0  }
0x71: {  	s11 =	sadd.s32 $0x1000, s13;
	[sflag:s25] =	ssyncadd.s32 $0xFFFFC000  }
0x72: {  	[hbm4b:s11+s3] =	stream.linear.scatter [tilespmem:s18], [sflag:$0xC], $0x4000, $0x38;
	[tilespmem:$0x17840] =	vst v63  }
0x73: {  	_ =	swait.ge [sflag:s9], $0x4000  }
0x74: {  	[sflag:s9] =	ssyncset.done $0x0  }
0x75: {  	s12 =	simm.s32 $0x480;
	[sflag:s9] =	ssyncadd.s32 $0xFFFFC000  }
0x76: {  	[tilespmem:s28], [sflag:$0x6] =	stream.indirect.gather [hbm4b:s4+s17], $0x80, s12, s17, $0xb8;
	[tilespmem:$0x17840] =	vst v63  }
0x77: {  	_ =	swait.ge [sflag:s29], $0x4000  }
0x78: {  	[sflag:s29] =	ssyncset.done $0x0  }
0x79: {  	s15 =	simm.s32 $0xF80;
	[sflag:s29] =	ssyncadd.s32 $0xFFFFC000  }
0x7a: {  	[tilespmem:s19], [sflag:$0x8] =	stream.indirect.gather.add.f32 [spmem:s2], $0x80, s15, s17, $0xb8;
	[tilespmem:$0x17840] =	vst v63  }
0x7b: {  	_ =	swait.ge [sflag:s31], $0x4000  }
0x7c: {  	s10 =	simm.s32 $0xA00;
	[sflag:s31] =	ssyncset.done $0x0  }
0x7d: {  	s11 =	sadd.s32 $0x2800, s13;
	s12 =	sadd.s32 $0x1800, s13;
	[sflag:s31] =	ssyncadd.s32 $0xFFFFC000  }
.LBB2_2:
0x7e: {  	[hbm4b:s12+s3] =	stream.linear.scatter [tilespmem:s19], [sflag:$0xD], $0x4000, $0x38;
	[tilespmem:$0x17840] =	vst v63  }
0x7f: {  	s12 =	smov.u32 s10  }
0x80: {  	p1 =	sne.s32 s10, $0x1E00;
	s10 =	sadd.s32 $0xA00, s10;
	_ =	swait.ge [sflag:s0], $0x4000  }
0x81: {  	s12 =	sshra.s32 s12, $0x2;
	[sflag:s0] =	ssyncset.done $0x0  }
0x82: {  	s15 =	sadd.s32 $0x280, s12;
	[sflag:s0] =	ssyncadd.s32 $0xFFFFC000  }
0x83: {  	[tilespmem:s18], [sflag:$0x2] =	stream.indirect.gather [hbm4b:s4+s17], $0x80, s15, s17, $0xb8;
	[tilespmem:$0x17840] =	vst v63  }
0x84: {  	_ =	swait.ge [sflag:s1], $0x4000  }
0x85: {  	[sflag:s1] =	ssyncset.done $0x0  }
0x86: {  	s15 =	sadd.s32 $0xD80, s12;
	[sflag:s1] =	ssyncadd.s32 $0xFFFFC000  }
0x87: {  	[tilespmem:s21], [sflag:$0x9] =	stream.indirect.gather.add.f32 [spmem:s2], $0x80, s15, s17, $0xb8;
	[tilespmem:$0x17840] =	vst v63  }
0x88: {  	_ =	swait.ge [sflag:s20], $0x4000  }
0x89: {  	[sflag:s20] =	ssyncset.done $0x0  }
0x8a: {  	s15 =	sadd.s32 $0xFFFFF800, s11;
	[sflag:s20] =	ssyncadd.s32 $0xFFFFC000  }
0x8b: {  	[hbm4b:s15+s3] =	stream.linear.scatter [tilespmem:s21], [sflag:$0xE], $0x4000, $0x38;
	[tilespmem:$0x17840] =	vst v63  }
0x8c: {  	_ =	swait.ge [sflag:s22], $0x4000  }
0x8d: {  	[sflag:s22] =	ssyncset.done $0x0  }
0x8e: {  	s15 =	sadd.s32 $0x300, s12;
	[sflag:s22] =	ssyncadd.s32 $0xFFFFC000  }
0x8f: {  	[tilespmem:s19], [sflag:$0x3] =	stream.indirect.gather [hbm4b:s4+s17], $0x80, s15, s17, $0xb8;
	[tilespmem:$0x17840] =	vst v63  }
0x90: {  	_ =	swait.ge [sflag:s26], $0x4000  }
0x91: {  	[sflag:s26] =	ssyncset.done $0x0  }
0x92: {  	s15 =	sadd.s32 $0xE00, s12;
	[sflag:s26] =	ssyncadd.s32 $0xFFFFC000  }
0x93: {  	[tilespmem:s23], [sflag:$0xA] =	stream.indirect.gather.add.f32 [spmem:s2], $0x80, s15, s17, $0xb8;
	[tilespmem:$0x17840] =	vst v63  }
0x94: {  	_ =	swait.ge [sflag:s30], $0x4000  }
0x95: {  	[sflag:s30] =	ssyncset.done $0x0  }
0x96: {  	[sflag:s30] =	ssyncadd.s32 $0xFFFFC000  }
0x97: {  	[hbm4b:s11+s3] =	stream.linear.scatter [tilespmem:s23], [sflag:$0xF], $0x4000, $0x38;
	[tilespmem:$0x17840] =	vst v63  }
0x98: {  	_ =	swait.ge [sflag:s5], $0x4000  }
0x99: {  	[sflag:s5] =	ssyncset.done $0x0  }
0x9a: {  	s15 =	sadd.s32 $0x380, s12;
	[sflag:s5] =	ssyncadd.s32 $0xFFFFC000  }
0x9b: {  	[tilespmem:s21], [sflag:$0x4] =	stream.indirect.gather [hbm4b:s4+s17], $0x80, s15, s17, $0xb8;
	[tilespmem:$0x17840] =	vst v63  }
0x9c: {  	_ =	swait.ge [sflag:s6], $0x4000  }
0x9d: {  	[sflag:s6] =	ssyncset.done $0x0  }
0x9e: {  	s15 =	sadd.s32 $0xE80, s12;
	[sflag:s6] =	ssyncadd.s32 $0xFFFFC000  }
0x9f: {  	[tilespmem:s28], [sflag:$0xB] =	stream.indirect.gather.add.f32 [spmem:s2], $0x80, s15, s17, $0xb8;
	[tilespmem:$0x17840] =	vst v63  }
0xa0: {  	_ =	swait.ge [sflag:s7], $0x4000  }
0xa1: {  	[sflag:s7] =	ssyncset.done $0x0  }
0xa2: {  	s15 =	sadd.s32 $0x800, s11;
	[sflag:s7] =	ssyncadd.s32 $0xFFFFC000  }
0xa3: {  	[hbm4b:s15+s3] =	stream.linear.scatter [tilespmem:s28], [sflag:$0x10], $0x4000, $0x38;
	[tilespmem:$0x17840] =	vst v63  }
0xa4: {  	_ =	swait.ge [sflag:s8], $0x4000  }
0xa5: {  	[sflag:s8] =	ssyncset.done $0x0  }
0xa6: {  	s15 =	sadd.s32 $0x400, s12;
	[sflag:s8] =	ssyncadd.s32 $0xFFFFC000  }
0xa7: {  	[tilespmem:s23], [sflag:$0x5] =	stream.indirect.gather [hbm4b:s4+s17], $0x80, s15, s17, $0xb8;
	[tilespmem:$0x17840] =	vst v63  }
0xa8: {  	_ =	swait.ge [sflag:s24], $0x4000  }
0xa9: {  	[sflag:s24] =	ssyncset.done $0x0  }
0xaa: {  	s15 =	sadd.s32 $0xF00, s12;
	[sflag:s24] =	ssyncadd.s32 $0xFFFFC000  }
0xab: {  	[tilespmem:s18], [sflag:$0x7] =	stream.indirect.gather.add.f32 [spmem:s2], $0x80, s15, s17, $0xb8;
	[tilespmem:$0x17840] =	vst v63  }
0xac: {  	_ =	swait.ge [sflag:s25], $0x4000  }
0xad: {  	[sflag:s25] =	ssyncset.done $0x0  }
0xae: {  	s15 =	sadd.s32 $0x1000, s11;
	[sflag:s25] =	ssyncadd.s32 $0xFFFFC000  }
0xaf: {  	[hbm4b:s15+s3] =	stream.linear.scatter [tilespmem:s18], [sflag:$0xC], $0x4000, $0x38;
	[tilespmem:$0x17840] =	vst v63  }
0xb0: {  	_ =	swait.ge [sflag:s9], $0x4000  }
0xb1: {  	[sflag:s9] =	ssyncset.done $0x0  }
0xb2: {  	s15 =	sadd.s32 $0x480, s12;
	[sflag:s9] =	ssyncadd.s32 $0xFFFFC000  }
0xb3: {  	[tilespmem:s28], [sflag:$0x6] =	stream.indirect.gather [hbm4b:s4+s17], $0x80, s15, s17, $0xb8;
	[tilespmem:$0x17840] =	vst v63  }
0xb4: {  	_ =	swait.ge [sflag:s29], $0x4000  }
0xb5: {  	[sflag:s29] =	ssyncset.done $0x0  }
.Ltmp0:
0xb6: {  	s12 =	sadd.s32 $0xF80, s12;
	[sflag:s29] =	ssyncadd.s32 $0xFFFFC000;
	(pc) =	sbr.rel @p1 .LBB2_2-.Ltmp0, $4  }
0xb7: {  	[tilespmem:s19], [sflag:$0x8] =	stream.indirect.gather.add.f32 [spmem:s2], $0x80, s12, s17, $0xb8;
	[tilespmem:$0x17840] =	vst v63  }
0xb8: {  	_ =	swait.ge [sflag:s31], $0x4000  }
0xb9: {  	[sflag:s31] =	ssyncset.done $0x0  }
0xba: {  	s12 =	sadd.s32 $0x1800, s11;
	s11 =	sadd.s32 $0x2800, s11;
	[sflag:s31] =	ssyncadd.s32 $0xFFFFC000  }
0xbb: {  	[hbm4b:s12+s3] =	stream.linear.scatter [tilespmem:s19], [sflag:$0xD], $0x4000, $0x38;
	[tilespmem:$0x17840] =	vst v63  }
0xbc: {  	_ =	swait.ge [sflag:s1], $0x4000  }
0xbd: {  	[sflag:s1] =	ssyncset.done $0x0  }
0xbe: {  	s10 =	simm.s32 $0x1780;
	[sflag:s1] =	ssyncadd.s32 $0xFFFFC000  }
0xbf: {  	[tilespmem:s21], [sflag:$0x9] =	stream.indirect.gather.add.f32 [spmem:s2], $0x80, s10, s17, $0xb8;
	[tilespmem:$0x17840] =	vst v63  }
0xc0: {  	_ =	swait.ge [sflag:s20], $0x4000  }
0xc1: {  	[sflag:s20] =	ssyncset.done $0x0  }
0xc2: {  	s11 =	rddreg [dreg:$0xa];
	[sflag:s20] =	ssyncadd.s32 $0xFFFFC000  }
0xc3: {  	[hbm4b:s11+s3] =	stream.linear.scatter [tilespmem:s21], [sflag:$0xE], $0x4000, $0x38;
	[tilespmem:$0x17840] =	vst v63  }
0xc4: {  	_ =	swait.ge [sflag:s26], $0x4000  }
0xc5: {  	[sflag:s26] =	ssyncset.done $0x0  }
0xc6: {  	s12 =	simm.s32 $0x1800;
	[sflag:s26] =	ssyncadd.s32 $0xFFFFC000  }
0xc7: {  	[tilespmem:s23], [sflag:$0xA] =	stream.indirect.gather.add.f32 [spmem:s2], $0x80, s12, s17, $0xb8;
	[tilespmem:$0x17840] =	vst v63  }
0xc8: {  	_ =	swait.ge [sflag:s30], $0x4000  }
0xc9: {  	[sflag:s30] =	ssyncset.done $0x0  }
0xca: {  	s15 =	rddreg [dreg:$0xb];
	[sflag:s30] =	ssyncadd.s32 $0xFFFFC000  }
0xcb: {  	[hbm4b:s15+s3] =	stream.linear.scatter [tilespmem:s23], [sflag:$0xF], $0x4000, $0x38;
	[tilespmem:$0x17840] =	vst v63  }
0xcc: {  	_ =	swait.ge [sflag:s6], $0x4000  }
0xcd: {  	[sflag:s6] =	ssyncset.done $0x0  }
0xce: {  	s11 =	simm.s32 $0x1880;
	[sflag:s6] =	ssyncadd.s32 $0xFFFFC000  }
0xcf: {  	[tilespmem:s28], [sflag:$0xB] =	stream.indirect.gather.add.f32 [spmem:s2], $0x80, s11, s17, $0xb8;
	[tilespmem:$0x17840] =	vst v63  }
0xd0: {  	_ =	swait.ge [sflag:s7], $0x4000  }
0xd1: {  	[sflag:s7] =	ssyncset.done $0x0  }
0xd2: {  	s12 =	rddreg [dreg:$0xc];
	[sflag:s7] =	ssyncadd.s32 $0xFFFFC000  }
0xd3: {  	[hbm4b:s12+s3] =	stream.linear.scatter [tilespmem:s28], [sflag:$0x10], $0x4000, $0x38;
	[tilespmem:$0x17840] =	vst v63  }
0xd4: {  	_ =	swait.ge [sflag:s0], $0x4000  }
0xd5: {  	[sflag:s0] =	ssyncset.done $0x0  }
0xd6: {  	[sflag:s0] =	ssyncadd.s32 $0xFFFFC000  }
0xd7: {  	_ =	swait.ge [sflag:s22], $0x4000  }
0xd8: {  	[sflag:s22] =	ssyncset.done $0x0  }
0xd9: {  	[sflag:s22] =	ssyncadd.s32 $0xFFFFC000  }
0xda: {  	_ =	swait.ge [sflag:s5], $0x4000  }
0xdb: {  	[sflag:s5] =	ssyncset.done $0x0  }
0xdc: {  	[sflag:s5] =	ssyncadd.s32 $0xFFFFC000  }
0xdd: {  	_ =	swait.ge [sflag:s8], $0x4000  }
0xde: {  	[sflag:s8] =	ssyncset.done $0x0  }
0xdf: {  	[sflag:s8] =	ssyncadd.s32 $0xFFFFC000  }
0xe0: {  	_ =	swait.ge [sflag:s9], $0x4000  }
0xe1: {  	s14 =	sadd.s32 $0x1, s14;
	s15 =	rddreg [dreg:$0xd]  }
0xe2: {  	p1 =	sne.s32 s14, s15  }
.Ltmp1:
0xe3: {  	_ = 	snop;
	(pc) =	sbr.rel @p1 .LBB2_1-.Ltmp1, $3  }
0xe4: {  	_ =	sdelay $0x1  }
0xe5: {  	[sflag:s9] =	ssyncset.done $0x0  }
0xe6: {  	[sflag:s9] =	ssyncadd.s32 $0xFFFFC000  }
0xe7: {  	_ =	sfence.sel $0x180000  }
0xe8: {  	[bflag:$0x0] =	sbarrier.arrive $0xFFFF  }
0xe9: {  	_ =	strace $0x90000047  }
0xea: {  	[bflag:$0x2] =	sbarrier.arrive $0xFFFF  }
0xeb: {  	s0 =	rddreg [dreg:$0x5]  }
0xec: {  	s0 =	sadd.s32 @!p0 $0x100000, s0  }
0xed: {  	[sflag:s0] =	ssyncadd.tile.s32 @!p0 $0x1;
	_ =	shalt  }
.Lfunc_end2:
_tile_overlayer_lowered:
.L_overlay_start_2:
0xee: {  	(tag) =	ssettag $0x2  }
0xef: {  	s0 =	rddreg [dreg:$0x0];
	s2 =	stileid.u32  }
0xf0: {  	s1 =	rddreg [dreg:$0x1];
	p0 =	sne.s32 s2, $0x0  }
0xf1: {  	s3 =	rddreg [dreg:$0x2];
	[bflag:$0x3] =	sbarrier.arrive $0xFFFF;
	s2 =	simm.s32 @!p0 $0x1C11  }
0xf2: {  	[timem:s3], [sflag:s2] =	dma.local @!p0 [hbm:s0], s1  }
0xf3: {  	s0 =	simm.s32 @!p0 $0x11  }
0xf4: {  	_ =	swait.ge @!p0 [sflag:s0], s1  }
0xf5: {  	s1 =	ssub.s32 @!p0 $0x0, s1;
	[sflag:s0] =	ssyncset.done @!p0 $0x0  }
0xf6: {  	[sflag:s0] =	ssyncadd.s32 @!p0 s1  }
0xf7: {  	[bflag:$0x3] =	sbarrier.arrive $0xFFFF  }
0xf8: {  	_ =	shalt  }

// kernel: sparse-core-data-format-call.cloned.1.call-start
scs
called_computation_lowered:
.L_overlay_start_0:
0x0: {  	s2 =	sld [smem:$0x3FD9]  }
0x1: {  	s3 =	sld [smem:$0x3FFE];
	_ =	sdelay $0x1  }
0x2: {  	s1 =	srdreg.scid  }
0x3: {  	s0 =	sand.u32 $0x1, s1  }
0x4: {  	s18 =	sshll.u32 s0, $0xA;
	s2 =	sadd.s32 s3, s2  }
0x5: {  	s2 =	sadd.s32 s2, s18  }
0x6: {  	[smem:$0x3FC4] =	sst s2  }
0x7: {  	_ = 	snop  }
0x8: {  	s2 =	sld [smem:$0x3FD0];
	(tm) =	ssettm $0x1  }
0x9: {  	s19 =	sld [smem:$0x3FFB];
	_ =	sdelay $0x3  }
0xa: {  	_ =	strace s19  }
0xb: {  	s3 =	sld [smem:$0x3FFC];
	_ =	sdelay $0x3  }
0xc: {  	_ =	strace s3  }
0xd: {  	s3 =	sld [smem:$0x3FFD];
	_ =	sdelay $0x3  }
0xe: {  	_ =	strace s3  }
0xf: {  	_ =	strace $0x8FFFFFFF  }
0x10: {  	s20 =	sld [smem:$0x3FDB];
	_ =	sdelay $0x1  }
0x11: {  	s4 =	simm.s32 $_scs_section_size  }
0x12: {  	s5 =	simm.s32 $_size__tile_overlayer_lowered;
	s6 =	simm.s32 $_tile_overlayer_lowered  }
0x13: {  	s23 =	simm.s32 $0x1BFF;
	s22 =	sshll.u32 s6, $0x1;
	s3 =	sadd.s32 s4, s20  }
0x14: {  	s7 =	simm.s32 $0x0;
	s21 =	sshll.u32 s5, $0x1;
	s5 =	sadd.s32 s22, s3  }
0x15: {  	[timem:s7], [sflag:s23] =	dma.local [hbm:s5], s21  }
0x16: {  	_ =	swait.ge [sflag:s23], s21  }
0x17: {  	s4 =	ssub.s32 $0x0, s21;
	[sflag:s23] =	ssyncset.done $0x0  }
0x18: {  	[sflag:s23] =	ssyncadd.s32 s4;
	_ =	sdelay $0x1  }
0x19: {  	s24 =	simm.s32 $0x1B8B  }
0x1a: {  	_ =	swait.ge [sflag:s24], $0x1  }
0x1b: {  	[sflag:s24] =	ssyncset.done $0x0  }
0x1c: {  	s26 =	simm.s32 $0x1B8E;
	s25 =	sld [smem:$0x3FFE];
	[sflag:s24] =	ssyncadd.s32 $0xFFFFFFFF  }
0x1d: {  	s27 =	simm.s32 $execute0_lowered;
	[smem:$0x3FD2] =	sst s26  }
0x1e: {  	s5 =	sshll.u32 s27, $0x1;
	_ =	strace $0x80000049;
	[dreg:$0x1] =	wrdreg $0xFFFFFFFF  }
0x1f: {  	s28 =	simm.s32 $_size_execute0_lowered;
	s3 =	sadd.s32 s3, s5;
	[dreg:$0x0] =	wrdreg $0x0  }
0x20: {  	s5 =	sshll.u32 s28, $0x1;
	[dreg:$0x2] =	wrdreg s3  }
0x21: {  	[dreg:$0x3] =	wrdreg s5  }
0x22: {  	[dreg:$0x4] =	wrdreg $0xC0  }
0x23: {  	_ =	task [dreg:s7], $0x5FFFF  }
0x24: {  	[dreg:$0x1] =	wrdreg $0xFFFFFFFF  }
0x25: {  	[dreg:$0x0] =	wrdreg $0x60  }
0x26: {  	[dreg:$0x2] =	wrdreg s25  }
0x27: {  	[dreg:$0x3] =	wrdreg s2  }
0x28: {  	[dreg:$0x4] =	wrdreg $0x9  }
0x29: {  	_ =	task.clear_ibuf [dreg:s7], $0x5FFFF;
	_ =	strace $0x90000049  }
0x2a: {  	s29 =	simm.s32 $0x9;
	_ =	strace $0x8000004B  }
0x2b: {  	_ =	swait.ge [sflag:s29], $0x1  }
0x2c: {  	[sflag:s29] =	ssyncadd.s32 $0xFFFFFFFF  }
0x2d: {  	_ =	strace $0x9000004B  }
0x2e: {  	_ =	sfence  }
0x2f: {  	s30 =	sld [smem:$0x0];
	_ =	sdelay $0x2  }
0x30: {  	s31 =	sshll.u32 s1, $0xD;
	s1 =	sshrl.u32 s1, $0x2  }
0x31: {  	s3 =	sand.u32 $0x4000, s31;
	s1 =	sadd.s32 s1, s30  }
0x32: {  	s0 =	sor.u32 s3, s0;
	s1 =	sshll.u32 s1, $0x11  }
0x33: {  	s0 =	sor.u32 s1, s0  }
0x34: {  	s0 =	sadd.s32 $0x8F2B, s0  }
0x35: {  	[sflag:s0] =	ssyncadd.remote.s32 $0x1  }
0x36: {  	_ =	sfence.sel $0xFFFF  }
0x37: {  	[dreg:$0x0] =	wrdreg $0xFFFFFFFF;
	(pc) =	sbr.abs _section_cstart, $3  }
0x38: {  	[dreg:$0x1] =	wrdreg $0xFFFFFFFF  }
0x39: {  	_ =	task.clear_ibuf [dreg:s7], $0x2FFFF;
	_ =	strace $0x9FFFFFFF  }
0x3a: {  	(tm) =	ssettm $0x7FFFFFFF  }
0x3b: {  	_ =	shalt  }
tec
execute0_lowered:
.L_overlay_start_1:
0x0: {  	(tag) =	ssettag $0x1  }
0x1: {  	s4 =	rddreg [dreg:$0x0]  }
0x2: {  	s0 =	srdreg.scid;
	s2 =	rddreg [dreg:$0x1]  }
0x3: {  	s1 =	stileid.u32;
	s5 =	simm.s32 $0x1;
	s0 =	sshll.u32 s0, $0x4  }
0x4: {  	s7 =	simm.s32 $0x2;
	s12 =	simm.s32 $0x0;
	s3 =	sand.u32 $0x10, s0  }
.Ltmp0:
0x5: {  	s8 =	simm.s32 $0xC3800;
	s3 =	sor.u32 s1, s3;
	(pc) =	sbr.rel .LBB1_1-.Ltmp0, $4  }
0x6: {  	s10 =	simm.s32 $0x0;
	s11 =	simm.s32 $0x0;
	s3 =	sshll.u32 s3, $0x7  }
0x7: {  	s0 =	rddreg [dreg:$0x2];
	_ =	strace $0x8000004A;
	s6 =	ssub.s32 $0x18680, s3  }
0x8: {  	s4 =	sadd.s32 $0x800, s4;
	[sflag:s5] =	ssyncpa.u1 $0x0;
	s6 =	sshrl.u32 s6, $0xC  }
0x9: {  	[sflag:s7] =	ssyncpa.u1 $0x0;
	s9 =	smov.u32 s3;
	s7 =	sadd.s32 $0x2, s6  }
.LBB1_5:
0xa: {  	[tilespmem:s20+$0x0 ss:$0x81] =	vst.msk $0xffff, v1  }
0xb: {  	[tilespmem:s19+$0x0 ss:$0x81] =	vst.msk $0xffff, v2  }
.LBB1_6:
0xc: {  	s15 =	sshll.u32 s10, $0x3  }
0xd: {  	s15 =	sand.u32 $0xFFFFFC00, s15  }
0xe: {  	s17 =	smulhi.u32 $0xA79C7B17, s15;
	_ =	sdelay $0x1  }
0xf: {  	s16 =	sand.u32 $0x7F, s10;
	s17 =	sshrl.u32 s17, $0x10  }
0x10: {  	s15 =	sor.u32 s16, s15;
	s18 =	smul.u32 $0xAAAB, s17  }
0x11: {  	p0 =	sgt.s32 s10, $0x18680;
	s19 =	smov.u32 s10;
	s16 =	smulhi.u32 $0xA79C7B17, s15  }
0x12: {  	s19 =	simm.s32 @!p0 $0x18680;
	s18 =	sshrl.u32 s18, $0x16  }
0x13: {  	s13 =	sadd.s32 s13, s19;
	s16 =	sshrl.u32 s16, $0x10;
	s18 =	smul.u32 $0x60, s18  }
0x14: {  	s30 =	sadd.s32 $0xFFFE7980, s13;
	s16 =	smul.u32 $0x18700, s16  }
0x15: {  	s13 =	ssub.s32 $0x18700, s13;
	p0 =	sgt.s32 s30, $0x7F;
	s29 =	ssub.s32 s17, s18  }
0x16: {  	s13 =	smul.u32 $0x180, s13;
	s15 =	ssub.s32 s15, s16;
	s16 =	sand.u32 $0xFFFF, s29  }
0x17: {  	s31 =	sshrl.u32 s15, $0x3;
	s15 =	sand.u32 $0x7, s15;
	s16 =	smul.u32 $0x30E0, s16  }
0x18: {  	s13 =	sshrl.u32 s13, $0x2;
	s17 =	sadd.s32 s2, s31;
	s15 =	sshll.u32 s15, $0x12  }
0x19: {  	s13 =	simm.s32 @p0 $0x0;
	s15 =	sor.u32 $0x400, s15;
	s16 =	sadd.s32 s16, s17  }
0x1a: {  	[hbm4b:s16+s15] =	stream.strided.scatter [tilespmem:s14], [sflag:$0x2], s13, s8, s15, $0x20;
	[tilespmem:$0x10100] =	vst v63  }
.LBB1_7:
0x1b: {  	p0 =	slt.u32 s11, $0x2  }
0x1c: {  	p1 =	sgt.s32 @!p0 s12, $0x18680  }
0x1d: {  	s13 =	smov.u32 s12;
	s14 =	sshra.s32 @!p0 s12, $0x1F;
	p1 =	por !p1, p0  }
0x1e: {  	s12 =	sand.u32 @!p0 s14, s12;
	s13 =	simm.s32 @p1 $0x18680  }
0x1f: {  	s12 =	ssub.s32 @!p0 s13, s12  }
0x20: {  	s13 =	ssub.s32 @!p0 $0x18700, s12  }
0x21: {  	s12 =	sadd.s32 @!p0 $0xFFFE7980, s12;
	s13 =	smul.u32 @!p0 $0x180, s13  }
0x22: {  	p1 =	sgt.s32 @!p0 s12, $0x7F  }
0x23: {  	s14 =	sadd.s32 $0x1000, s9;
	p1 =	por !p1, p0;
	s12 =	sshrl.u32 @!p0 s13, $0x2  }
0x24: {  	s12 =	simm.s32 @!p1 $0x0;
	p1 =	sgt.s32 s14, $0x1869F  }
0x25: {  	s14 =	smov.u32 @p1 s3;
	p1 =	sne.s32 s11, s7  }
.Ltmp1:
0x26: {  	_ = 	snop;
	(pc) =	sbr.rel @!p1 .LBB1_8-.Ltmp1, $4  }
0x27: {  	s13 =	simm.s32 @!p0 $0x2  }
0x28: {  	_ =	swait.ge @!p0 [sflag:s13], s12;
	s15 =	ssub.s32 @!p0 $0x0, s12  }
0x29: {  	s12 =	smov.u32 s10;
	s11 =	sadd.s32 $0x1, s11;
	[sflag:s13] =	ssyncset.done @!p0 $0x0  }
0x2a: {  	s10 =	smov.u32 s9;
	s9 =	smov.u32 s14;
	[sflag:s13] =	ssyncadd.s32 @!p0 s15  }
.LBB1_1:
0x2b: {  	p0 =	sgt.u32 s11, s6  }
0x2c: {  	s13 =	sand.u32 @!p0 $0x1FFFFFF, s9  }
0x2d: {  	p1 =	sgt.s32 @!p0 s9, $0x18620;
	s14 =	smulhi.u32 @!p0 $0x14F8B59, s13  }
0x2e: {  	s15 =	smov.u32 s9;
	s16 =	sshra.s32 @!p0 s9, $0x1F;
	p1 =	por !p1, p0  }
0x2f: {  	s16 =	sand.u32 @!p0 s16, s9;
	s15 =	simm.s32 @p1 $0x18620;
	s14 =	sshrl.u32 @!p0 s14, $0x9  }
0x30: {  	s15 =	ssub.s32 @!p0 s15, s16;
	s14 =	smul.u32 @!p0 $0x186A0, s14  }
0x31: {  	s16 =	sxor.u32 @!p0 $0xFFFFFFFF, s11;
	s15 =	sadd.s32 @!p0 $0xFFFE79E0, s15  }
0x32: {  	s16 =	sshll.u32 @!p0 s16, $0xE;
	s13 =	ssub.s32 @!p0 s13, s14;
	s14 =	sshll.u32 @!p0 s15, $0x9  }
0x33: {  	s16 =	sand.u32 @!p0 $0x4000, s16;
	p1 =	sgt.s32 @!p0 s15, $0x7F;
	s14 =	ssub.s32 @!p0 $0x10000, s14  }
0x34: {  	p1 =	por !p1, p0;
	s13 =	sshll.u32 @!p0 s13, $0x4;
	s14 =	sshrl.u32 @!p0 s14, $0x2  }
0x35: {  	s15 =	simm.s32 @!p0 $0x0;
	s13 =	sadd.s32 @!p0 s4, s13;
	s14 =	simm.s32 @!p1 $0x0  }
0x36: {  	[tilespmem:s16], [sflag:$0x1] =	stream.linear.gather @!p0 [hbm4b:s13+s15], s14, $0x38;
	[tilespmem:$0x10100] =	vst v63  }
0x37: {  	p0 =	seq.s32 s11, $0x0  }
0x38: {  	p1 =	sge.u32 @!p0 s11, s7  }
0x39: {  	p0 =	por p0, p1  }
.Ltmp2:
0x3a: {  	_ = 	snop;
	(pc) =	sbr.rel @p0 .LBB1_7-.Ltmp2, $1  }
0x3b: {  	_ =	sdelay $0x3  }
0x3c: {  	s13 =	ssub.s32 $0x0, s10  }
0x3d: {  	s14 =	sshra.s32 s10, $0x1F;
	p0 =	sgt.s32 s10, $0x18620;
	s15 =	smov.u32 s10  }
0x3e: {  	s13 =	sand.u32 s13, s14;
	s15 =	simm.s32 @!p0 $0x18620  }
0x3f: {  	s14 =	sadd.s32 s13, s15  }
0x40: {  	s17 =	sadd.s32 $0x80, s10;
	s14 =	sadd.s32 $0xFFFE79E0, s14  }
0x41: {  	p1 =	slt.s32 s17, $0x186A0;
	s31 =	sshll.u32 s14, $0x9  }
0x42: {  	s17 =	simm.s32 @!p1 $0x186A0;
	s15 =	ssub.s32 $0x10000, s31  }
0x43: {  	p0 =	sgt.s32 s14, $0x7F;
	s14 =	sshrl.u32 s15, $0x2;
	s15 =	ssub.s32 s17, s10  }
0x44: {  	s14 =	simm.s32 @p0 $0x0;
	p0 =	slt.s32 s15, $0x1  }
.Ltmp3:
0x45: {  	_ = 	snop;
	(pc) =	sbr.rel @p0 .LBB1_6-.Ltmp3, $4  }
0x46: {  	s16 =	sand.u32 $0x1, s11  }
0x47: {  	s18 =	smul.u32 $0x4080, s16;
	_ =	swait.ge [sflag:s5], s14  }
0x48: {  	s14 =	ssub.s32 $0x0, s14;
	[sflag:s5] =	ssyncset.done $0x0  }
0x49: {  	[sflag:s5] =	ssyncadd.s32 s14;
	s14 =	sor.u32 $0x8000, s18  }
0x4a: {  	s17 =	sshll.u32 s16, $0xE  }
0x4b: {  	v0 =	vmov s17  }
0x4c: {  	s16 =	simm.s32 $0x0;
	s18 =	simm.s32 $0x0;
	p0 =	sne.s32 s15, $0x1  }
0x4d: {  	s20 =	simm.s32 $0x10;
	s22 =	simm.s32 $0x20;
	s23 =	simm.s32 $0x30  }
0x4e: {  	s24 =	simm.s32 $0x50;
	s17 =	simm.s32 $0x1;
	s18 =	sand.u32 $0x78, s18  }
0x4f: {  	s19 =	sand.u32 $0x3F80, s16;
	s21 =	sxor.u32 $0x40, s18;
	s18 =	smul.u32 $0x204, s18  }
0x50: {  	s20 =	sand.u32 $0x78, s20;
	s22 =	sand.u32 $0x78, s22;
	s21 =	smul.u32 $0x204, s21;
	v1 =	vld.idx.msk [tilespmem:v0+s19+$0x40 ss:$0x1], $0xffff  }
0x51: {  	s23 =	sand.u32 $0x78, s23;
	s24 =	sand.u32 $0x78, s24;
	s20 =	smul.u32 $0x204, s20;
	v2 =	vld.idx.msk [tilespmem:v0+s19+$0x0 ss:$0x1], $0xffff  }
0x52: {  	s25 =	sand.u32 $0x7F, s16;
	s22 =	smul.u32 $0x204, s22;
	s21 =	sshrl.u32 s21, $0x2  }
0x53: {  	s23 =	smul.u32 $0x204, s23;
	s18 =	sshrl.u32 s18, $0x2;
	v3 =	vld.idx.msk [tilespmem:v0+s19+$0x10 ss:$0x1], $0xffff;
	s21 =	sadd.s32 s21, s14  }
0x54: {  	s24 =	smul.u32 $0x204, s24;
	s18 =	sadd.s32 s18, s14;
	v4 =	vld.idx.msk [tilespmem:v0+s19+$0x20 ss:$0x1], $0xffff;
	s21 =	sadd.s32 s25, s21  }
.Ltmp4:
0x55: {  	s20 =	sshrl.u32 s20, $0x2;
	s18 =	sadd.s32 s25, s18;
	[tilespmem:s21+$0x0 ss:$0x81] =	vst.msk $0xffff, v1;
	v1 =	vld.idx.msk [tilespmem:v0+s19+$0x30 ss:$0x1], $0xffff;
	(pc) =	sbr.rel @!p0 .LBB1_5-.Ltmp4, $4  }
0x56: {  	s22 =	sshrl.u32 s22, $0x2;
	s27 =	sshrl.u32 s23, $0x2;
	s20 =	sadd.s32 s20, s14;
	[tilespmem:s18+$0x0 ss:$0x81] =	vst.msk $0xffff, v2;
	v2 =	vld.idx.msk [tilespmem:v0+s19+$0x50 ss:$0x1], $0xffff  }
0x57: {  	s29 =	sshrl.u32 s24, $0x2;
	s26 =	sadd.s32 s22, s14;
	s28 =	sadd.s32 s25, s20  }
0x58: {  	s22 =	sadd.s32 s27, s14;
	s31 =	sadd.s32 s29, s14;
	s30 =	sadd.s32 s25, s26;
	[tilespmem:s28+$0x0 ss:$0x81] =	vst.msk $0xffff, v3  }
0x59: {  	s20 =	sadd.s32 s25, s22;
	[tilespmem:s30+$0x0 ss:$0x81] =	vst.msk $0xffff, v4;
	s19 =	sadd.s32 s25, s31;
	s18 =	simm.s32 $0x2808  }
.LBB1_4:
0x5a: {  	s21 =	sadd.s32 $0xFFFFD800, s18;
	s22 =	sadd.s32 $0xFFFFE000, s18;
	[tilespmem:s20+$0x0 ss:$0x81] =	vst.msk $0xffff, v1;
	s20 =	smov.u32 s17  }
0x5b: {  	s17 =	sadd.s32 $0x1, s17;
	s16 =	sadd.s32 $0x80, s16;
	s23 =	sadd.s32 $0xFFFFE800, s18  }
0x5c: {  	s24 =	sadd.s32 $0xFFFFF000, s18;
	s21 =	sshrl.u32 s21, $0x7;
	p0 =	sne.s32 s15, s17;
	[tilespmem:s19+$0x0 ss:$0x81] =	vst.msk $0xffff, v2  }
0x5d: {  	s26 =	sshrl.u32 s18, $0x7;
	s19 =	sand.u32 $0x3F80, s16;
	s21 =	sand.u32 $0x78, s21  }
0x5e: {  	s22 =	sshrl.u32 s22, $0x7;
	s23 =	sshrl.u32 s23, $0x7;
	v3 =	vld.idx.msk [tilespmem:v0+s19+$0x40 ss:$0x1], $0xffff;
	s25 =	sxor.u32 $0x40, s21  }
0x5f: {  	s24 =	sshrl.u32 s24, $0x7;
	s26 =	sand.u32 $0x78, s26;
	v4 =	vld.idx.msk [tilespmem:v0+s19+$0x0 ss:$0x1], $0xffff;
	s25 =	smul.u32 $0x204, s25  }
0x60: {  	s27 =	sand.u32 $0x7F, s20;
	s22 =	sand.u32 $0x78, s22;
	s23 =	sand.u32 $0x78, s23;
	v5 =	vld.idx.msk [tilespmem:v0+s19+$0x10 ss:$0x1], $0xffff  }
0x61: {  	s24 =	sand.u32 $0x78, s24;
	s20 =	smul.u32 $0x204, s21;
	v6 =	vld.idx.msk [tilespmem:v0+s19+$0x20 ss:$0x1], $0xffff;
	s25 =	sshrl.u32 s25, $0x2  }
0x62: {  	s22 =	smul.u32 $0x204, s22;
	v1 =	vld.idx.msk [tilespmem:v0+s19+$0x30 ss:$0x1], $0xffff;
	s21 =	sadd.s32 s25, s14  }
0x63: {  	s21 =	sadd.s32 s27, s21;
	v2 =	vld.idx.msk [tilespmem:v0+s19+$0x50 ss:$0x1], $0xffff;
	s19 =	sshrl.u32 s20, $0x2;
	s20 =	smul.u32 $0x204, s23  }
0x64: {  	s23 =	smul.u32 $0x204, s26;
	[tilespmem:s21+$0x0 ss:$0x81] =	vst.msk $0xffff, v3  }
0x65: {  	s19 =	sadd.s32 s19, s14;
	s21 =	sshrl.u32 s22, $0x2;
	s22 =	smul.u32 $0x204, s24  }
.Ltmp5:
0x66: {  	s21 =	sadd.s32 s21, s14;
	s20 =	sshrl.u32 s20, $0x2;
	(pc) =	sbr.rel @p0 .LBB1_4-.Ltmp5, $4  }
0x67: {  	s19 =	sadd.s32 s27, s19;
	s20 =	sadd.s32 s20, s14;
	s22 =	sshrl.u32 s22, $0x2  }
0x68: {  	[tilespmem:s19+$0x0 ss:$0x81] =	vst.msk $0xffff, v4;
	s19 =	sadd.s32 s27, s21;
	s21 =	sadd.s32 s22, s14;
	s22 =	sshrl.u32 s23, $0x2  }
0x69: {  	[tilespmem:s19+$0x0 ss:$0x81] =	vst.msk $0xffff, v5;
	s19 =	sadd.s32 s27, s20;
	s20 =	sadd.s32 s27, s21;
	s21 =	sadd.s32 s22, s14  }
0x6a: {  	s18 =	sadd.s32 $0x8, s18;
	[tilespmem:s19+$0x0 ss:$0x81] =	vst.msk $0xffff, v6;
	s19 =	sadd.s32 s27, s21  }
.Ltmp6:
0x6b: {  	_ = 	snop;
	(pc) =	sbr.rel .LBB1_5-.Ltmp6, $1  }
0x6c: {  	_ =	sdelay $0x3  }
.LBB1_8:
0x6d: {  	_ =	sfence.sel $0x180000  }
0x6e: {  	s2 =	simm.s32 $0x1;
	[bflag:$0x0] =	sbarrier.arrive $0xFFFF  }
0x6f: {  	s31 =	simm.s32 $0x2;
	[sflag:s2] =	ssyncpa.u1 $0x1  }
0x70: {  	[sflag:s31] =	ssyncpa.u1 $0x1  }
0x71: {  	p0 =	sne.s32 s1, $0x0;
	_ =	strace $0x9000004A  }
0x72: {  	s0 =	sadd.s32 @!p0 $0x100000, s0;
	[bflag:$0x2] =	sbarrier.arrive $0xFFFF  }
0x73: {  	[sflag:s0] =	ssyncadd.tile.s32 @!p0 $0x1;
	_ =	shalt  }
.Lfunc_end1:
_tile_overlayer_lowered:
.L_overlay_start_2:
0x74: {  	(tag) =	ssettag $0x2  }
0x75: {  	s0 =	rddreg [dreg:$0x0];
	s2 =	stileid.u32  }
0x76: {  	s1 =	rddreg [dreg:$0x1];
	p0 =	sne.s32 s2, $0x0  }
0x77: {  	s3 =	rddreg [dreg:$0x2];
	[bflag:$0x3] =	sbarrier.arrive $0xFFFF;
	s2 =	simm.s32 @!p0 $0x1C01  }
0x78: {  	[timem:s3], [sflag:s2] =	dma.local @!p0 [hbm:s0], s1  }
0x79: {  	s0 =	simm.s32 @!p0 $0x1  }
0x7a: {  	_ =	swait.ge @!p0 [sflag:s0], s1  }
0x7b: {  	s1 =	ssub.s32 @!p0 $0x0, s1;
	[sflag:s0] =	ssyncset.done @!p0 $0x0  }
0x7c: {  	[sflag:s0] =	ssyncadd.s32 @!p0 s1  }
0x7d: {  	[bflag:$0x3] =	sbarrier.arrive $0xFFFF  }
0x7e: {  	_ =	shalt  }

</sc_bundles>
